<compile_context>
chip_gen: v7x
topology: tpu7x:2x2x1
jax: 0.10.2.dev20260603
libtpu: 0.0.44.dev20260713+nightly
codegen_flags: <defaults>
</compile_context>

<pallas_src>
import functools

import jax
import jax.numpy as jnp
from jax import lax
from jax.experimental import pallas as pl
from jax.experimental.pallas import tpu as pltpu
from jax.experimental.pallas import tpu_sc as plsc

VOCAB = 30522
LANG_DIM = 768
OUT_DIM = 1024
BATCH = 4096
SEQ = 20
TOKENS = BATCH * SEQ


BM = 1024
GRID_M = (VOCAB + BM - 1) // BM


def _proj_body(t_ref, w_ref, b_ref, m_ref, p_ref, pm_ref):
    p_ref[...] = (
        jnp.dot(
            t_ref[...].astype(jnp.bfloat16),
            w_ref[...].astype(jnp.bfloat16),
            preferred_element_type=jnp.float32,
        )
        + b_ref[...]
    )

    @pl.when(pl.program_id(0) == 0)
    def _():
        pm_ref[...] = (m_ref[...] == 0).astype(jnp.int32)


def _project(emb_table, W, b2d, attention_mask):
    return pl.pallas_call(
        _proj_body,
        grid=(GRID_M,),
        in_specs=[
            pl.BlockSpec((BM, LANG_DIM), lambda i: (i, 0)),
            pl.BlockSpec((LANG_DIM, OUT_DIM), lambda i: (0, 0)),
            pl.BlockSpec((1, OUT_DIM), lambda i: (0, 0)),
            pl.BlockSpec((BATCH, SEQ), lambda i: (0, 0)),
        ],
        out_specs=[
            pl.BlockSpec((BM, OUT_DIM), lambda i: (i, 0)),
            pl.BlockSpec((BATCH, SEQ), lambda i: (0, 0)),
        ],
        out_shape=[
            jax.ShapeDtypeStruct((VOCAB, OUT_DIM), jnp.float32),
            jax.ShapeDtypeStruct((BATCH, SEQ), jnp.int32),
        ],
    )(emb_table, W, b2d, attention_mask)



NC, NS = 2, 16
NW = NC * NS
RPW = BATCH // NW
SEQ_PAD = 24
NBUF = 4
CHUNK_ROWS = 1
CHUNK = CHUNK_ROWS * SEQ_PAD
NCHUNK = RPW // CHUNK_ROWS
NITER = NCHUNK // NBUF


@functools.lru_cache(maxsize=1)
def _make_sc_gather():
    mesh = plsc.VectorSubcoreMesh(core_axis_name="c", subcore_axis_name="s")

    @functools.partial(
        pl.kernel,
        mesh=mesh,
        out_type=jax.ShapeDtypeStruct((BATCH, SEQ, OUT_DIM), jnp.float32),
        scratch_types=[
            pltpu.VMEM((RPW * SEQ_PAD,), jnp.int32),
            pltpu.VMEM((NBUF, CHUNK, OUT_DIM), jnp.float32),
        ]
        + [pltpu.SemaphoreType.DMA] * (2 * NBUF),
        compiler_params=pltpu.CompilerParams(
            use_tc_tiling_on_sc=True, disable_bounds_checks=True
        ),
    )
    def _sc_gather(p_hbm, idx_hbm, out_hbm, idx_v, bufs, *sems):
        gsem = sems[:NBUF]
        osem = sems[NBUF:]
        wid = lax.axis_index("s") * NC + lax.axis_index("c")
        rbase = wid * RPW
        pltpu.sync_copy(
            idx_hbm.at[pl.ds(wid * RPW * SEQ_PAD, RPW * SEQ_PAD)], idx_v
        )

        def gather_copy(c, b):
            return pltpu.make_async_copy(
                p_hbm.at[idx_v.at[pl.ds(c * CHUNK, CHUNK)]],
                bufs.at[b],
                gsem[b],
            )

        def wb_copies(c, b):
            row = rbase + CHUNK_ROWS * c
            return [
                pltpu.make_async_copy(
                    bufs.at[b].at[pl.ds(r * SEQ_PAD, SEQ_PAD)],
                    out_hbm.at[row + r].at[pl.ds(0, SEQ_PAD)],
                    osem[b],
                )
                for r in range(CHUNK_ROWS)
            ]

        for b in range(NBUF):
            gather_copy(b, b).start()

        def body(i, carry):
            for b in range(NBUF):
                c = i * NBUF + b
                gather_copy(c, b).wait()
                wbs = wb_copies(c, b)
                for wb in wbs:
                    wb.start()
                for wb in wbs:
                    wb.wait()

                @pl.when(i < NITER - 1)
                def _():
                    gather_copy(c + NBUF, b).start()

            return carry

        lax.fori_loop(0, NITER, body, 0)

    return _sc_gather


def kernel(ref_expr_inds, attention_mask, emb_table, W, b):
    P, pm = _project(emb_table, W, b.reshape(1, OUT_DIM), attention_mask)
    idxp = jnp.pad(
        ref_expr_inds, ((0, 0), (0, SEQ_PAD - SEQ)), mode="edge"
    ).reshape(-1)
    out = _make_sc_gather()(P, idxp)
    return out, pm.astype(jnp.bool_)

# --- scband reference (transcript-rebuilt; emitter-appended) ---
"""Pipeline reference for scband-bert-encoder-31714038513779 (READ-ONLY COPY).

The authoritative reference and input builder live on the scoring server;
editing this copy changes nothing except your own understanding.
"""

import jax, jax.numpy as jnp
import numpy as np

VOCAB = 30522
LANG_DIM = 768
OUT_DIM = 1024
BATCH = 4096
SEQ = 20


def setup_inputs(seed: int = 0) -> dict:
    key = jax.random.key(seed)
    k1, k2, k3, k4 = jax.random.split(key, 4)
    ref_expr_inds = jax.random.randint(k1, (BATCH, SEQ), 0, VOCAB, dtype=jnp.int32)
    attention_mask = jax.random.randint(k2, (BATCH, SEQ), 0, 2, dtype=jnp.int32)
    # learned parameters: BERT word embedding table + mapping Linear(768 -> 1024)
    emb_table = jax.random.normal(k3, (VOCAB, LANG_DIM), dtype=jnp.float32) * 0.02
    W = jax.random.normal(k4, (LANG_DIM, OUT_DIM), dtype=jnp.float32) * 0.02
    b = jnp.zeros((OUT_DIM,), dtype=jnp.float32)
    return {
        "ref_expr_inds": ref_expr_inds,
        "attention_mask": attention_mask,
        "emb_table": emb_table,
        "W": W,
        "b": b,
    }


def reference(ref_expr_inds, attention_mask, emb_table, W, b):
    # y = self.bert.embeddings.word_embeddings(ref_expr_inds)
    y = jnp.take(emb_table, ref_expr_inds, axis=0)
    # y = self.mapping(y)  -> Linear(768, 1024)
    y = jnp.dot(y, W) + b
    # return (y, ~attention_mask.to(torch.bool))
    pad_mask = jnp.logical_not(attention_mask.astype(jnp.bool_))
    return (y, pad_mask)

if __name__ == "__main__":
    import jax
    _d = setup_inputs()
    print(jax.jit(kernel)(*tuple(_d.values())))

</pallas_src>

<mosaic_0001>
#map = affine_map<(d0, d1) -> (0, 0)>
#map1 = affine_map<(d0, d1) -> (0)>
#map2 = affine_map<(d0, d1) -> (0, 0, 0)>
module attributes {stable_mosaic.version = 14 : i64} {
  func.func @_sc_gather(%arg0: i32, %arg1: i32, %arg2: memref<30522x1024xf32, #tpu.memory_space<hbm>>, %arg3: memref<98304xi32, #tpu.memory_space<hbm>>, %arg4: memref<4096x20x1024xf32, #tpu.memory_space<hbm>>, %arg5: memref<3072xi32, #tpu.memory_space<vmem>>, %arg6: memref<4x24x1024xf32, #tpu.memory_space<vmem>>, %arg7: memref<!tpu.dma_semaphore, #tpu.memory_space<semaphore_mem>>, %arg8: memref<!tpu.dma_semaphore, #tpu.memory_space<semaphore_mem>>, %arg9: memref<!tpu.dma_semaphore, #tpu.memory_space<semaphore_mem>>, %arg10: memref<!tpu.dma_semaphore, #tpu.memory_space<semaphore_mem>>, %arg11: memref<!tpu.dma_semaphore, #tpu.memory_space<semaphore_mem>>, %arg12: memref<!tpu.dma_semaphore, #tpu.memory_space<semaphore_mem>>, %arg13: memref<!tpu.dma_semaphore, #tpu.memory_space<semaphore_mem>>, %arg14: memref<!tpu.dma_semaphore, #tpu.memory_space<semaphore_mem>>) attributes {dimension_semantics = [#tpu.dimension_semantics<core_parallel>, #tpu.dimension_semantics<subcore_parallel>], iteration_bounds = array<i64: 2, 16>, scalar_prefetch = 0 : i64, scratch_operands = 10 : i64, tpu.core_type = #tpu.core_type<sc_vector_subcore>, window_params = [{transform_indices = #map}, {transform_indices = #map1}, {transform_indices = #map2}]} {
    %mul3A = arith.constant 2 : i32
    %mul3A_0 = arith.muli %arg1, %mul3A : i32
    %add3A = arith.addi %mul3A_0, %arg0 : i32
    %mul3A_1 = arith.constant 128 : i32
    %mul3A_2 = arith.muli %add3A, %mul3A_1 : i32
    %mul3A_3 = arith.constant 128 : i32
    %mul3A_4 = arith.muli %add3A, %mul3A_3 : i32
    %mul3A_5 = arith.constant 24 : i32
    %mul3A_6 = arith.muli %mul3A_4, %mul3A_5 : i32
    "tpu.region"() ({
      %run_scoped3A = tpu.sem_alloc : memref<!tpu.dma_semaphore, #tpu.memory_space<semaphore_mem>>
      %dma_start3A_51 = tpu.memref_slice %arg3[%mul3A_6] : memref<98304xi32, #tpu.memory_space<hbm>> -> memref<3072xi32, #tpu.memory_space<hbm>>
      %dma_start3A_52 = tpu.memref_slice %arg3[%mul3A_6] : memref<98304xi32, #tpu.memory_space<hbm>> -> memref<3072xi32, #tpu.memory_space<hbm>>
      tpu.enqueue_dma source(%dma_start3A_52 : memref<3072xi32, #tpu.memory_space<hbm>>) target(%arg5 : memref<3072xi32, #tpu.memory_space<vmem>>) target_semaphore(%run_scoped3A : memref<!tpu.dma_semaphore, #tpu.memory_space<semaphore_mem>>)
      %dma_wait3A = tpu.memref_slice %arg3[%mul3A_6] : memref<98304xi32, #tpu.memory_space<hbm>> -> memref<3072xi32, #tpu.memory_space<hbm>>
      %dma_wait3A_53 = tpu.memref_slice %arg3[%mul3A_6] : memref<98304xi32, #tpu.memory_space<hbm>> -> memref<3072xi32, #tpu.memory_space<hbm>>
      tpu.wait_dma2 semaphore(%run_scoped3A : memref<!tpu.dma_semaphore, #tpu.memory_space<semaphore_mem>>) src(%dma_wait3A_53 : memref<3072xi32, #tpu.memory_space<hbm>>) dst(%arg5 : memref<3072xi32, #tpu.memory_space<vmem>>)
      tpu.yield
    }) : () -> ()
    %dma_start3A = arith.constant 0 : i32
    %dma_start3A_7 = arith.constant 0 : i32
    %dma_start3A_8 = arith.constant 0 : i32
    %dma_start3A_9 = tpu.memref_slice %arg6[%dma_start3A, %dma_start3A_7, %dma_start3A_8] : memref<4x24x1024xf32, #tpu.memory_space<vmem>> -> memref<1x24x1024xf32, #tpu.memory_space<vmem>>
    %dma_start3A_10 = tpu.memref_squeeze %dma_start3A_9 : memref<1x24x1024xf32, #tpu.memory_space<vmem>> -> memref<24x1024xf32, #tpu.memory_space<vmem>>
    %dma_start3A_11 = arith.constant 0 : i32
    %dma_start3A_12 = tpu.memref_slice %arg5[%dma_start3A_11] : memref<3072xi32, #tpu.memory_space<vmem>> -> memref<24xi32, #tpu.memory_space<vmem>>
    %dma_start3A_13 = arith.constant 0 : i32
    %dma_start3A_14 = arith.constant 0 : i32
    %dma_start3A_15 = tpu.memref_slice %arg2[%dma_start3A_13, %dma_start3A_14] : memref<30522x1024xf32, #tpu.memory_space<hbm>> -> memref<30522x1024xf32, #tpu.memory_space<hbm>>
    tpu.enqueue_indirect_dma source(%dma_start3A_15 : memref<30522x1024xf32, #tpu.memory_space<hbm>>) target(%dma_start3A_10 : memref<24x1024xf32, #tpu.memory_space<vmem>>) offsets(%dma_start3A_12 : memref<24xi32, #tpu.memory_space<vmem>>) semaphore(%arg7 : memref<!tpu.dma_semaphore, #tpu.memory_space<semaphore_mem>>)
    %dma_start3A_16 = arith.constant 1 : i32
    %dma_start3A_17 = arith.constant 0 : i32
    %dma_start3A_18 = arith.constant 0 : i32
    %dma_start3A_19 = tpu.memref_slice %arg6[%dma_start3A_16, %dma_start3A_17, %dma_start3A_18] : memref<4x24x1024xf32, #tpu.memory_space<vmem>> -> memref<1x24x1024xf32, #tpu.memory_space<vmem>>
    %dma_start3A_20 = tpu.memref_squeeze %dma_start3A_19 : memref<1x24x1024xf32, #tpu.memory_space<vmem>> -> memref<24x1024xf32, #tpu.memory_space<vmem>>
    %dma_start3A_21 = arith.constant 24 : i32
    %dma_start3A_22 = tpu.memref_slice %arg5[%dma_start3A_21] : memref<3072xi32, #tpu.memory_space<vmem>> -> memref<24xi32, #tpu.memory_space<vmem>>
    %dma_start3A_23 = arith.constant 0 : i32
    %dma_start3A_24 = arith.constant 0 : i32
    %dma_start3A_25 = tpu.memref_slice %arg2[%dma_start3A_23, %dma_start3A_24] : memref<30522x1024xf32, #tpu.memory_space<hbm>> -> memref<30522x1024xf32, #tpu.memory_space<hbm>>
    tpu.enqueue_indirect_dma source(%dma_start3A_25 : memref<30522x1024xf32, #tpu.memory_space<hbm>>) target(%dma_start3A_20 : memref<24x1024xf32, #tpu.memory_space<vmem>>) offsets(%dma_start3A_22 : memref<24xi32, #tpu.memory_space<vmem>>) semaphore(%arg8 : memref<!tpu.dma_semaphore, #tpu.memory_space<semaphore_mem>>)
    %dma_start3A_26 = arith.constant 2 : i32
    %dma_start3A_27 = arith.constant 0 : i32
    %dma_start3A_28 = arith.constant 0 : i32
    %dma_start3A_29 = tpu.memref_slice %arg6[%dma_start3A_26, %dma_start3A_27, %dma_start3A_28] : memref<4x24x1024xf32, #tpu.memory_space<vmem>> -> memref<1x24x1024xf32, #tpu.memory_space<vmem>>
    %dma_start3A_30 = tpu.memref_squeeze %dma_start3A_29 : memref<1x24x1024xf32, #tpu.memory_space<vmem>> -> memref<24x1024xf32, #tpu.memory_space<vmem>>
    %dma_start3A_31 = arith.constant 48 : i32
    %dma_start3A_32 = tpu.memref_slice %arg5[%dma_start3A_31] : memref<3072xi32, #tpu.memory_space<vmem>> -> memref<24xi32, #tpu.memory_space<vmem>>
    %dma_start3A_33 = arith.constant 0 : i32
    %dma_start3A_34 = arith.constant 0 : i32
    %dma_start3A_35 = tpu.memref_slice %arg2[%dma_start3A_33, %dma_start3A_34] : memref<30522x1024xf32, #tpu.memory_space<hbm>> -> memref<30522x1024xf32, #tpu.memory_space<hbm>>
    tpu.enqueue_indirect_dma source(%dma_start3A_35 : memref<30522x1024xf32, #tpu.memory_space<hbm>>) target(%dma_start3A_30 : memref<24x1024xf32, #tpu.memory_space<vmem>>) offsets(%dma_start3A_32 : memref<24xi32, #tpu.memory_space<vmem>>) semaphore(%arg9 : memref<!tpu.dma_semaphore, #tpu.memory_space<semaphore_mem>>)
    %dma_start3A_36 = arith.constant 3 : i32
    %dma_start3A_37 = arith.constant 0 : i32
    %dma_start3A_38 = arith.constant 0 : i32
    %dma_start3A_39 = tpu.memref_slice %arg6[%dma_start3A_36, %dma_start3A_37, %dma_start3A_38] : memref<4x24x1024xf32, #tpu.memory_space<vmem>> -> memref<1x24x1024xf32, #tpu.memory_space<vmem>>
    %dma_start3A_40 = tpu.memref_squeeze %dma_start3A_39 : memref<1x24x1024xf32, #tpu.memory_space<vmem>> -> memref<24x1024xf32, #tpu.memory_space<vmem>>
    %dma_start3A_41 = arith.constant 72 : i32
    %dma_start3A_42 = tpu.memref_slice %arg5[%dma_start3A_41] : memref<3072xi32, #tpu.memory_space<vmem>> -> memref<24xi32, #tpu.memory_space<vmem>>
    %dma_start3A_43 = arith.constant 0 : i32
    %dma_start3A_44 = arith.constant 0 : i32
    %dma_start3A_45 = tpu.memref_slice %arg2[%dma_start3A_43, %dma_start3A_44] : memref<30522x1024xf32, #tpu.memory_space<hbm>> -> memref<30522x1024xf32, #tpu.memory_space<hbm>>
    tpu.enqueue_indirect_dma source(%dma_start3A_45 : memref<30522x1024xf32, #tpu.memory_space<hbm>>) target(%dma_start3A_40 : memref<24x1024xf32, #tpu.memory_space<vmem>>) offsets(%dma_start3A_42 : memref<24xi32, #tpu.memory_space<vmem>>) semaphore(%arg10 : memref<!tpu.dma_semaphore, #tpu.memory_space<semaphore_mem>>)
    %scan3A = arith.constant 0 : i32
    %scan3A_46 = arith.constant 0 : i32
    %scan3A_47 = arith.constant 32 : i32
    %scan3A_48 = arith.addi %scan3A_46, %scan3A_47 : i32
    %scan3A_49 = arith.constant 1 : i32
    scf.for %scan3A_51 = %scan3A_46 to %scan3A_48 step %scan3A_49  : i32 {
      %mul3A_52 = arith.constant 4 : i32
      %mul3A_53 = arith.muli %scan3A_51, %mul3A_52 : i32
      %add3A_54 = arith.constant 0 : i32
      %add3A_55 = arith.addi %mul3A_53, %add3A_54 : i32
      %mul3A_56 = arith.constant 24 : i32
      %mul3A_57 = arith.muli %add3A_55, %mul3A_56 : i32
      %dma_wait3A = arith.constant 0 : i32
      %dma_wait3A_58 = arith.constant 0 : i32
      %dma_wait3A_59 = arith.constant 0 : i32
      %dma_wait3A_60 = tpu.memref_slice %arg6[%dma_wait3A, %dma_wait3A_58, %dma_wait3A_59] : memref<4x24x1024xf32, #tpu.memory_space<vmem>> -> memref<1x24x1024xf32, #tpu.memory_space<vmem>>
      %dma_wait3A_61 = tpu.memref_squeeze %dma_wait3A_60 : memref<1x24x1024xf32, #tpu.memory_space<vmem>> -> memref<24x1024xf32, #tpu.memory_space<vmem>>
      %dma_wait3A_62 = tpu.memref_slice %arg5[%mul3A_57] : memref<3072xi32, #tpu.memory_space<vmem>> -> memref<24xi32, #tpu.memory_space<vmem>>
      %dma_wait3A_63 = arith.constant 0 : i32
      %dma_wait3A_64 = arith.constant 0 : i32
      %dma_wait3A_65 = tpu.memref_slice %arg2[%dma_wait3A_63, %dma_wait3A_64] : memref<30522x1024xf32, #tpu.memory_space<hbm>> -> memref<30522x1024xf32, #tpu.memory_space<hbm>>
      tpu.wait_indirect_dma semaphore(%arg7 : memref<!tpu.dma_semaphore, #tpu.memory_space<semaphore_mem>>) src(%dma_wait3A_65 : memref<30522x1024xf32, #tpu.memory_space<hbm>>) dst(%dma_wait3A_61 : memref<24x1024xf32, #tpu.memory_space<vmem>>)
      %mul3A_66 = arith.constant 1 : i32
      %mul3A_67 = arith.muli %mul3A_66, %add3A_55 : i32
      %add3A_68 = arith.addi %mul3A_2, %mul3A_67 : i32
      %add3A_69 = arith.constant 0 : i32
      %add3A_70 = arith.addi %add3A_68, %add3A_69 : i32
      %dma_start3A_71 = arith.constant 0 : i32
      %dma_start3A_72 = arith.constant 0 : i32
      %dma_start3A_73 = arith.constant 0 : i32
      %dma_start3A_74 = tpu.memref_slice %arg6[%dma_start3A_71, %dma_start3A_72, %dma_start3A_73] : memref<4x24x1024xf32, #tpu.memory_space<vmem>> -> memref<1x24x1024xf32, #tpu.memory_space<vmem>>
      %dma_start3A_75 = tpu.memref_squeeze %dma_start3A_74 : memref<1x24x1024xf32, #tpu.memory_space<vmem>> -> memref<24x1024xf32, #tpu.memory_space<vmem>>
      %dma_start3A_76 = arith.constant 0 : i32
      %dma_start3A_77 = arith.constant 0 : i32
      %dma_start3A_78 = tpu.memref_slice %dma_start3A_75[%dma_start3A_76, %dma_start3A_77] : memref<24x1024xf32, #tpu.memory_space<vmem>> -> memref<24x1024xf32, #tpu.memory_space<vmem>>
      %dma_start3A_79 = arith.constant 0 : i32
      %dma_start3A_80 = arith.constant 0 : i32
      %dma_start3A_81 = tpu.memref_slice %arg4[%add3A_70, %dma_start3A_79, %dma_start3A_80] : memref<4096x20x1024xf32, #tpu.memory_space<hbm>> -> memref<1x20x1024xf32, #tpu.memory_space<hbm>>
      %dma_start3A_82 = tpu.memref_squeeze %dma_start3A_81 : memref<1x20x1024xf32, #tpu.memory_space<hbm>> -> memref<20x1024xf32, #tpu.memory_space<hbm>>
      %dma_start3A_83 = arith.constant 0 : i32
      %dma_start3A_84 = arith.constant 0 : i32
      %dma_start3A_85 = tpu.memref_slice %dma_start3A_82[%dma_start3A_83, %dma_start3A_84] : memref<20x1024xf32, #tpu.memory_space<hbm>> -> memref<24x1024xf32, #tpu.memory_space<hbm>>
      %dma_start3A_86 = arith.constant 0 : i32
      %dma_start3A_87 = arith.constant 0 : i32
      %dma_start3A_88 = tpu.memref_slice %arg4[%add3A_70, %dma_start3A_86, %dma_start3A_87] : memref<4096x20x1024xf32, #tpu.memory_space<hbm>> -> memref<1x20x1024xf32, #tpu.memory_space<hbm>>
      %dma_start3A_89 = tpu.memref_squeeze %dma_start3A_88 : memref<1x20x1024xf32, #tpu.memory_space<hbm>> -> memref<20x1024xf32, #tpu.memory_space<hbm>>
      %dma_start3A_90 = arith.constant 0 : i32
      %dma_start3A_91 = arith.constant 0 : i32
      %dma_start3A_92 = tpu.memref_slice %dma_start3A_89[%dma_start3A_90, %dma_start3A_91] : memref<20x1024xf32, #tpu.memory_space<hbm>> -> memref<24x1024xf32, #tpu.memory_space<hbm>>
      %dma_start3A_93 = arith.constant 0 : i32
      %dma_start3A_94 = arith.constant 0 : i32
      %dma_start3A_95 = tpu.memref_slice %arg6[%dma_start3A_71, %dma_start3A_93, %dma_start3A_94] : memref<4x24x1024xf32, #tpu.memory_space<vmem>> -> memref<1x24x1024xf32, #tpu.memory_space<vmem>>
      %dma_start3A_96 = tpu.memref_squeeze %dma_start3A_95 : memref<1x24x1024xf32, #tpu.memory_space<vmem>> -> memref<24x1024xf32, #tpu.memory_space<vmem>>
      %dma_start3A_97 = arith.constant 0 : i32
      %dma_start3A_98 = arith.constant 0 : i32
      %dma_start3A_99 = tpu.memref_slice %dma_start3A_96[%dma_start3A_97, %dma_start3A_98] : memref<24x1024xf32, #tpu.memory_space<vmem>> -> memref<24x1024xf32, #tpu.memory_space<vmem>>
      tpu.enqueue_dma source(%dma_start3A_99 : memref<24x1024xf32, #tpu.memory_space<vmem>>) target(%dma_start3A_92 : memref<24x1024xf32, #tpu.memory_space<hbm>>) target_semaphore(%arg11 : memref<!tpu.dma_semaphore, #tpu.memory_space<semaphore_mem>>)
      %dma_wait3A_100 = arith.constant 0 : i32
      %dma_wait3A_101 = arith.constant 0 : i32
      %dma_wait3A_102 = arith.constant 0 : i32
      %dma_wait3A_103 = tpu.memref_slice %arg6[%dma_wait3A_100, %dma_wait3A_101, %dma_wait3A_102] : memref<4x24x1024xf32, #tpu.memory_space<vmem>> -> memref<1x24x1024xf32, #tpu.memory_space<vmem>>
      %dma_wait3A_104 = tpu.memref_squeeze %dma_wait3A_103 : memref<1x24x1024xf32, #tpu.memory_space<vmem>> -> memref<24x1024xf32, #tpu.memory_space<vmem>>
      %dma_wait3A_105 = arith.constant 0 : i32
      %dma_wait3A_106 = arith.constant 0 : i32
      %dma_wait3A_107 = tpu.memref_slice %dma_wait3A_104[%dma_wait3A_105, %dma_wait3A_106] : memref<24x1024xf32, #tpu.memory_space<vmem>> -> memref<24x1024xf32, #tpu.memory_space<vmem>>
      %dma_wait3A_108 = arith.constant 0 : i32
      %dma_wait3A_109 = arith.constant 0 : i32
      %dma_wait3A_110 = tpu.memref_slice %arg4[%add3A_70, %dma_wait3A_108, %dma_wait3A_109] : memref<4096x20x1024xf32, #tpu.memory_space<hbm>> -> memref<1x20x1024xf32, #tpu.memory_space<hbm>>
      %dma_wait3A_111 = tpu.memref_squeeze %dma_wait3A_110 : memref<1x20x1024xf32, #tpu.memory_space<hbm>> -> memref<20x1024xf32, #tpu.memory_space<hbm>>
      %dma_wait3A_112 = arith.constant 0 : i32
      %dma_wait3A_113 = arith.constant 0 : i32
      %dma_wait3A_114 = tpu.memref_slice %dma_wait3A_111[%dma_wait3A_112, %dma_wait3A_113] : memref<20x1024xf32, #tpu.memory_space<hbm>> -> memref<24x1024xf32, #tpu.memory_space<hbm>>
      %dma_wait3A_115 = arith.constant 0 : i32
      %dma_wait3A_116 = arith.constant 0 : i32
      %dma_wait3A_117 = tpu.memref_slice %arg4[%add3A_70, %dma_wait3A_115, %dma_wait3A_116] : memref<4096x20x1024xf32, #tpu.memory_space<hbm>> -> memref<1x20x1024xf32, #tpu.memory_space<hbm>>
      %dma_wait3A_118 = tpu.memref_squeeze %dma_wait3A_117 : memref<1x20x1024xf32, #tpu.memory_space<hbm>> -> memref<20x1024xf32, #tpu.memory_space<hbm>>
      %dma_wait3A_119 = arith.constant 0 : i32
      %dma_wait3A_120 = arith.constant 0 : i32
      %dma_wait3A_121 = tpu.memref_slice %dma_wait3A_118[%dma_wait3A_119, %dma_wait3A_120] : memref<20x1024xf32, #tpu.memory_space<hbm>> -> memref<24x1024xf32, #tpu.memory_space<hbm>>
      %dma_wait3A_122 = arith.constant 0 : i32
      %dma_wait3A_123 = arith.constant 0 : i32
      %dma_wait3A_124 = tpu.memref_slice %arg6[%dma_wait3A_100, %dma_wait3A_122, %dma_wait3A_123] : memref<4x24x1024xf32, #tpu.memory_space<vmem>> -> memref<1x24x1024xf32, #tpu.memory_space<vmem>>
      %dma_wait3A_125 = tpu.memref_squeeze %dma_wait3A_124 : memref<1x24x1024xf32, #tpu.memory_space<vmem>> -> memref<24x1024xf32, #tpu.memory_space<vmem>>
      %dma_wait3A_126 = arith.constant 0 : i32
      %dma_wait3A_127 = arith.constant 0 : i32
      %dma_wait3A_128 = tpu.memref_slice %dma_wait3A_125[%dma_wait3A_126, %dma_wait3A_127] : memref<24x1024xf32, #tpu.memory_space<vmem>> -> memref<24x1024xf32, #tpu.memory_space<vmem>>
      tpu.wait_dma2 semaphore(%arg11 : memref<!tpu.dma_semaphore, #tpu.memory_space<semaphore_mem>>) src(%dma_wait3A_128 : memref<24x1024xf32, #tpu.memory_space<vmem>>) dst(%dma_wait3A_121 : memref<24x1024xf32, #tpu.memory_space<hbm>>)
      %lt3A = arith.constant 31 : i32
      %lt3A_129 = arith.cmpi slt, %scan3A_51, %lt3A : i32
      %convert_element_type3A = arith.extui %lt3A_129 : i1 to i32
      %cond3A = arith.constant 0 : i32
      %cond3A_130 = arith.cmpi ne, %convert_element_type3A, %cond3A : i32
      scf.if %cond3A_130 {
        %add3A_380 = arith.constant 4 : i32
        %add3A_381 = arith.addi %add3A_55, %add3A_380 : i32
        %mul3A_382 = arith.constant 24 : i32
        %mul3A_383 = arith.muli %add3A_381, %mul3A_382 : i32
        %dma_start3A_384 = arith.constant 0 : i32
        %dma_start3A_385 = arith.constant 0 : i32
        %dma_start3A_386 = arith.constant 0 : i32
        %dma_start3A_387 = tpu.memref_slice %arg6[%dma_start3A_384, %dma_start3A_385, %dma_start3A_386] : memref<4x24x1024xf32, #tpu.memory_space<vmem>> -> memref<1x24x1024xf32, #tpu.memory_space<vmem>>
        %dma_start3A_388 = tpu.memref_squeeze %dma_start3A_387 : memref<1x24x1024xf32, #tpu.memory_space<vmem>> -> memref<24x1024xf32, #tpu.memory_space<vmem>>
        %dma_start3A_389 = tpu.memref_slice %arg5[%mul3A_383] : memref<3072xi32, #tpu.memory_space<vmem>> -> memref<24xi32, #tpu.memory_space<vmem>>
        %dma_start3A_390 = arith.constant 0 : i32
        %dma_start3A_391 = arith.constant 0 : i32
        %dma_start3A_392 = tpu.memref_slice %arg2[%dma_start3A_390, %dma_start3A_391] : memref<30522x1024xf32, #tpu.memory_space<hbm>> -> memref<30522x1024xf32, #tpu.memory_space<hbm>>
        tpu.enqueue_indirect_dma source(%dma_start3A_392 : memref<30522x1024xf32, #tpu.memory_space<hbm>>) target(%dma_start3A_388 : memref<24x1024xf32, #tpu.memory_space<vmem>>) offsets(%dma_start3A_389 : memref<24xi32, #tpu.memory_space<vmem>>) semaphore(%arg7 : memref<!tpu.dma_semaphore, #tpu.memory_space<semaphore_mem>>)
      } else {
      }
      %mul3A_131 = arith.constant 4 : i32
      %mul3A_132 = arith.muli %scan3A_51, %mul3A_131 : i32
      %add3A_133 = arith.constant 1 : i32
      %add3A_134 = arith.addi %mul3A_132, %add3A_133 : i32
      %mul3A_135 = arith.constant 24 : i32
      %mul3A_136 = arith.muli %add3A_134, %mul3A_135 : i32
      %dma_wait3A_137 = arith.constant 1 : i32
      %dma_wait3A_138 = arith.constant 0 : i32
      %dma_wait3A_139 = arith.constant 0 : i32
      %dma_wait3A_140 = tpu.memref_slice %arg6[%dma_wait3A_137, %dma_wait3A_138, %dma_wait3A_139] : memref<4x24x1024xf32, #tpu.memory_space<vmem>> -> memref<1x24x1024xf32, #tpu.memory_space<vmem>>
      %dma_wait3A_141 = tpu.memref_squeeze %dma_wait3A_140 : memref<1x24x1024xf32, #tpu.memory_space<vmem>> -> memref<24x1024xf32, #tpu.memory_space<vmem>>
      %dma_wait3A_142 = tpu.memref_slice %arg5[%mul3A_136] : memref<3072xi32, #tpu.memory_space<vmem>> -> memref<24xi32, #tpu.memory_space<vmem>>
      %dma_wait3A_143 = arith.constant 0 : i32
      %dma_wait3A_144 = arith.constant 0 : i32
      %dma_wait3A_145 = tpu.memref_slice %arg2[%dma_wait3A_143, %dma_wait3A_144] : memref<30522x1024xf32, #tpu.memory_space<hbm>> -> memref<30522x1024xf32, #tpu.memory_space<hbm>>
      tpu.wait_indirect_dma semaphore(%arg8 : memref<!tpu.dma_semaphore, #tpu.memory_space<semaphore_mem>>) src(%dma_wait3A_145 : memref<30522x1024xf32, #tpu.memory_space<hbm>>) dst(%dma_wait3A_141 : memref<24x1024xf32, #tpu.memory_space<vmem>>)
      %mul3A_146 = arith.constant 1 : i32
      %mul3A_147 = arith.muli %mul3A_146, %add3A_134 : i32
      %add3A_148 = arith.addi %mul3A_2, %mul3A_147 : i32
      %add3A_149 = arith.constant 0 : i32
      %add3A_150 = arith.addi %add3A_148, %add3A_149 : i32
      %dma_start3A_151 = arith.constant 1 : i32
      %dma_start3A_152 = arith.constant 0 : i32
      %dma_start3A_153 = arith.constant 0 : i32
      %dma_start3A_154 = tpu.memref_slice %arg6[%dma_start3A_151, %dma_start3A_152, %dma_start3A_153] : memref<4x24x1024xf32, #tpu.memory_space<vmem>> -> memref<1x24x1024xf32, #tpu.memory_space<vmem>>
      %dma_start3A_155 = tpu.memref_squeeze %dma_start3A_154 : memref<1x24x1024xf32, #tpu.memory_space<vmem>> -> memref<24x1024xf32, #tpu.memory_space<vmem>>
      %dma_start3A_156 = arith.constant 0 : i32
      %dma_start3A_157 = arith.constant 0 : i32
      %dma_start3A_158 = tpu.memref_slice %dma_start3A_155[%dma_start3A_156, %dma_start3A_157] : memref<24x1024xf32, #tpu.memory_space<vmem>> -> memref<24x1024xf32, #tpu.memory_space<vmem>>
      %dma_start3A_159 = arith.constant 0 : i32
      %dma_start3A_160 = arith.constant 0 : i32
      %dma_start3A_161 = tpu.memref_slice %arg4[%add3A_150, %dma_start3A_159, %dma_start3A_160] : memref<4096x20x1024xf32, #tpu.memory_space<hbm>> -> memref<1x20x1024xf32, #tpu.memory_space<hbm>>
      %dma_start3A_162 = tpu.memref_squeeze %dma_start3A_161 : memref<1x20x1024xf32, #tpu.memory_space<hbm>> -> memref<20x1024xf32, #tpu.memory_space<hbm>>
      %dma_start3A_163 = arith.constant 0 : i32
      %dma_start3A_164 = arith.constant 0 : i32
      %dma_start3A_165 = tpu.memref_slice %dma_start3A_162[%dma_start3A_163, %dma_start3A_164] : memref<20x1024xf32, #tpu.memory_space<hbm>> -> memref<24x1024xf32, #tpu.memory_space<hbm>>
      %dma_start3A_166 = arith.constant 0 : i32
      %dma_start3A_167 = arith.constant 0 : i32
      %dma_start3A_168 = tpu.memref_slice %arg4[%add3A_150, %dma_start3A_166, %dma_start3A_167] : memref<4096x20x1024xf32, #tpu.memory_space<hbm>> -> memref<1x20x1024xf32, #tpu.memory_space<hbm>>
      %dma_start3A_169 = tpu.memref_squeeze %dma_start3A_168 : memref<1x20x1024xf32, #tpu.memory_space<hbm>> -> memref<20x1024xf32, #tpu.memory_space<hbm>>
      %dma_start3A_170 = arith.constant 0 : i32
      %dma_start3A_171 = arith.constant 0 : i32
      %dma_start3A_172 = tpu.memref_slice %dma_start3A_169[%dma_start3A_170, %dma_start3A_171] : memref<20x1024xf32, #tpu.memory_space<hbm>> -> memref<24x1024xf32, #tpu.memory_space<hbm>>
      %dma_start3A_173 = arith.constant 0 : i32
      %dma_start3A_174 = arith.constant 0 : i32
      %dma_start3A_175 = tpu.memref_slice %arg6[%dma_start3A_151, %dma_start3A_173, %dma_start3A_174] : memref<4x24x1024xf32, #tpu.memory_space<vmem>> -> memref<1x24x1024xf32, #tpu.memory_space<vmem>>
      %dma_start3A_176 = tpu.memref_squeeze %dma_start3A_175 : memref<1x24x1024xf32, #tpu.memory_space<vmem>> -> memref<24x1024xf32, #tpu.memory_space<vmem>>
      %dma_start3A_177 = arith.constant 0 : i32
      %dma_start3A_178 = arith.constant 0 : i32
      %dma_start3A_179 = tpu.memref_slice %dma_start3A_176[%dma_start3A_177, %dma_start3A_178] : memref<24x1024xf32, #tpu.memory_space<vmem>> -> memref<24x1024xf32, #tpu.memory_space<vmem>>
      tpu.enqueue_dma source(%dma_start3A_179 : memref<24x1024xf32, #tpu.memory_space<vmem>>) target(%dma_start3A_172 : memref<24x1024xf32, #tpu.memory_space<hbm>>) target_semaphore(%arg12 : memref<!tpu.dma_semaphore, #tpu.memory_space<semaphore_mem>>)
      %dma_wait3A_180 = arith.constant 1 : i32
      %dma_wait3A_181 = arith.constant 0 : i32
      %dma_wait3A_182 = arith.constant 0 : i32
      %dma_wait3A_183 = tpu.memref_slice %arg6[%dma_wait3A_180, %dma_wait3A_181, %dma_wait3A_182] : memref<4x24x1024xf32, #tpu.memory_space<vmem>> -> memref<1x24x1024xf32, #tpu.memory_space<vmem>>
      %dma_wait3A_184 = tpu.memref_squeeze %dma_wait3A_183 : memref<1x24x1024xf32, #tpu.memory_space<vmem>> -> memref<24x1024xf32, #tpu.memory_space<vmem>>
      %dma_wait3A_185 = arith.constant 0 : i32
      %dma_wait3A_186 = arith.constant 0 : i32
      %dma_wait3A_187 = tpu.memref_slice %dma_wait3A_184[%dma_wait3A_185, %dma_wait3A_186] : memref<24x1024xf32, #tpu.memory_space<vmem>> -> memref<24x1024xf32, #tpu.memory_space<vmem>>
      %dma_wait3A_188 = arith.constant 0 : i32
      %dma_wait3A_189 = arith.constant 0 : i32
      %dma_wait3A_190 = tpu.memref_slice %arg4[%add3A_150, %dma_wait3A_188, %dma_wait3A_189] : memref<4096x20x1024xf32, #tpu.memory_space<hbm>> -> memref<1x20x1024xf32, #tpu.memory_space<hbm>>
      %dma_wait3A_191 = tpu.memref_squeeze %dma_wait3A_190 : memref<1x20x1024xf32, #tpu.memory_space<hbm>> -> memref<20x1024xf32, #tpu.memory_space<hbm>>
      %dma_wait3A_192 = arith.constant 0 : i32
      %dma_wait3A_193 = arith.constant 0 : i32
      %dma_wait3A_194 = tpu.memref_slice %dma_wait3A_191[%dma_wait3A_192, %dma_wait3A_193] : memref<20x1024xf32, #tpu.memory_space<hbm>> -> memref<24x1024xf32, #tpu.memory_space<hbm>>
      %dma_wait3A_195 = arith.constant 0 : i32
      %dma_wait3A_196 = arith.constant 0 : i32
      %dma_wait3A_197 = tpu.memref_slice %arg4[%add3A_150, %dma_wait3A_195, %dma_wait3A_196] : memref<4096x20x1024xf32, #tpu.memory_space<hbm>> -> memref<1x20x1024xf32, #tpu.memory_space<hbm>>
      %dma_wait3A_198 = tpu.memref_squeeze %dma_wait3A_197 : memref<1x20x1024xf32, #tpu.memory_space<hbm>> -> memref<20x1024xf32, #tpu.memory_space<hbm>>
      %dma_wait3A_199 = arith.constant 0 : i32
      %dma_wait3A_200 = arith.constant 0 : i32
      %dma_wait3A_201 = tpu.memref_slice %dma_wait3A_198[%dma_wait3A_199, %dma_wait3A_200] : memref<20x1024xf32, #tpu.memory_space<hbm>> -> memref<24x1024xf32, #tpu.memory_space<hbm>>
      %dma_wait3A_202 = arith.constant 0 : i32
      %dma_wait3A_203 = arith.constant 0 : i32
      %dma_wait3A_204 = tpu.memref_slice %arg6[%dma_wait3A_180, %dma_wait3A_202, %dma_wait3A_203] : memref<4x24x1024xf32, #tpu.memory_space<vmem>> -> memref<1x24x1024xf32, #tpu.memory_space<vmem>>
      %dma_wait3A_205 = tpu.memref_squeeze %dma_wait3A_204 : memref<1x24x1024xf32, #tpu.memory_space<vmem>> -> memref<24x1024xf32, #tpu.memory_space<vmem>>
      %dma_wait3A_206 = arith.constant 0 : i32
      %dma_wait3A_207 = arith.constant 0 : i32
      %dma_wait3A_208 = tpu.memref_slice %dma_wait3A_205[%dma_wait3A_206, %dma_wait3A_207] : memref<24x1024xf32, #tpu.memory_space<vmem>> -> memref<24x1024xf32, #tpu.memory_space<vmem>>
      tpu.wait_dma2 semaphore(%arg12 : memref<!tpu.dma_semaphore, #tpu.memory_space<semaphore_mem>>) src(%dma_wait3A_208 : memref<24x1024xf32, #tpu.memory_space<vmem>>) dst(%dma_wait3A_201 : memref<24x1024xf32, #tpu.memory_space<hbm>>)
      %lt3A_209 = arith.constant 31 : i32
      %lt3A_210 = arith.cmpi slt, %scan3A_51, %lt3A_209 : i32
      %convert_element_type3A_211 = arith.extui %lt3A_210 : i1 to i32
      %cond3A_212 = arith.constant 0 : i32
      %cond3A_213 = arith.cmpi ne, %convert_element_type3A_211, %cond3A_212 : i32
      scf.if %cond3A_213 {
        %add3A_380 = arith.constant 4 : i32
        %add3A_381 = arith.addi %add3A_134, %add3A_380 : i32
        %mul3A_382 = arith.constant 24 : i32
        %mul3A_383 = arith.muli %add3A_381, %mul3A_382 : i32
        %dma_start3A_384 = arith.constant 1 : i32
        %dma_start3A_385 = arith.constant 0 : i32
        %dma_start3A_386 = arith.constant 0 : i32
        %dma_start3A_387 = tpu.memref_slice %arg6[%dma_start3A_384, %dma_start3A_385, %dma_start3A_386] : memref<4x24x1024xf32, #tpu.memory_space<vmem>> -> memref<1x24x1024xf32, #tpu.memory_space<vmem>>
        %dma_start3A_388 = tpu.memref_squeeze %dma_start3A_387 : memref<1x24x1024xf32, #tpu.memory_space<vmem>> -> memref<24x1024xf32, #tpu.memory_space<vmem>>
        %dma_start3A_389 = tpu.memref_slice %arg5[%mul3A_383] : memref<3072xi32, #tpu.memory_space<vmem>> -> memref<24xi32, #tpu.memory_space<vmem>>
        %dma_start3A_390 = arith.constant 0 : i32
        %dma_start3A_391 = arith.constant 0 : i32
        %dma_start3A_392 = tpu.memref_slice %arg2[%dma_start3A_390, %dma_start3A_391] : memref<30522x1024xf32, #tpu.memory_space<hbm>> -> memref<30522x1024xf32, #tpu.memory_space<hbm>>
        tpu.enqueue_indirect_dma source(%dma_start3A_392 : memref<30522x1024xf32, #tpu.memory_space<hbm>>) target(%dma_start3A_388 : memref<24x1024xf32, #tpu.memory_space<vmem>>) offsets(%dma_start3A_389 : memref<24xi32, #tpu.memory_space<vmem>>) semaphore(%arg8 : memref<!tpu.dma_semaphore, #tpu.memory_space<semaphore_mem>>)
      } else {
      }
      %mul3A_214 = arith.constant 4 : i32
      %mul3A_215 = arith.muli %scan3A_51, %mul3A_214 : i32
      %add3A_216 = arith.constant 2 : i32
      %add3A_217 = arith.addi %mul3A_215, %add3A_216 : i32
      %mul3A_218 = arith.constant 24 : i32
      %mul3A_219 = arith.muli %add3A_217, %mul3A_218 : i32
      %dma_wait3A_220 = arith.constant 2 : i32
      %dma_wait3A_221 = arith.constant 0 : i32
      %dma_wait3A_222 = arith.constant 0 : i32
      %dma_wait3A_223 = tpu.memref_slice %arg6[%dma_wait3A_220, %dma_wait3A_221, %dma_wait3A_222] : memref<4x24x1024xf32, #tpu.memory_space<vmem>> -> memref<1x24x1024xf32, #tpu.memory_space<vmem>>
      %dma_wait3A_224 = tpu.memref_squeeze %dma_wait3A_223 : memref<1x24x1024xf32, #tpu.memory_space<vmem>> -> memref<24x1024xf32, #tpu.memory_space<vmem>>
      %dma_wait3A_225 = tpu.memref_slice %arg5[%mul3A_219] : memref<3072xi32, #tpu.memory_space<vmem>> -> memref<24xi32, #tpu.memory_space<vmem>>
      %dma_wait3A_226 = arith.constant 0 : i32
      %dma_wait3A_227 = arith.constant 0 : i32
      %dma_wait3A_228 = tpu.memref_slice %arg2[%dma_wait3A_226, %dma_wait3A_227] : memref<30522x1024xf32, #tpu.memory_space<hbm>> -> memref<30522x1024xf32, #tpu.memory_space<hbm>>
      tpu.wait_indirect_dma semaphore(%arg9 : memref<!tpu.dma_semaphore, #tpu.memory_space<semaphore_mem>>) src(%dma_wait3A_228 : memref<30522x1024xf32, #tpu.memory_space<hbm>>) dst(%dma_wait3A_224 : memref<24x1024xf32, #tpu.memory_space<vmem>>)
      %mul3A_229 = arith.constant 1 : i32
      %mul3A_230 = arith.muli %mul3A_229, %add3A_217 : i32
      %add3A_231 = arith.addi %mul3A_2, %mul3A_230 : i32
      %add3A_232 = arith.constant 0 : i32
      %add3A_233 = arith.addi %add3A_231, %add3A_232 : i32
      %dma_start3A_234 = arith.constant 2 : i32
      %dma_start3A_235 = arith.constant 0 : i32
      %dma_start3A_236 = arith.constant 0 : i32
      %dma_start3A_237 = tpu.memref_slice %arg6[%dma_start3A_234, %dma_start3A_235, %dma_start3A_236] : memref<4x24x1024xf32, #tpu.memory_space<vmem>> -> memref<1x24x1024xf32, #tpu.memory_space<vmem>>
      %dma_start3A_238 = tpu.memref_squeeze %dma_start3A_237 : memref<1x24x1024xf32, #tpu.memory_space<vmem>> -> memref<24x1024xf32, #tpu.memory_space<vmem>>
      %dma_start3A_239 = arith.constant 0 : i32
      %dma_start3A_240 = arith.constant 0 : i32
      %dma_start3A_241 = tpu.memref_slice %dma_start3A_238[%dma_start3A_239, %dma_start3A_240] : memref<24x1024xf32, #tpu.memory_space<vmem>> -> memref<24x1024xf32, #tpu.memory_space<vmem>>
      %dma_start3A_242 = arith.constant 0 : i32
      %dma_start3A_243 = arith.constant 0 : i32
      %dma_start3A_244 = tpu.memref_slice %arg4[%add3A_233, %dma_start3A_242, %dma_start3A_243] : memref<4096x20x1024xf32, #tpu.memory_space<hbm>> -> memref<1x20x1024xf32, #tpu.memory_space<hbm>>
      %dma_start3A_245 = tpu.memref_squeeze %dma_start3A_244 : memref<1x20x1024xf32, #tpu.memory_space<hbm>> -> memref<20x1024xf32, #tpu.memory_space<hbm>>
      %dma_start3A_246 = arith.constant 0 : i32
      %dma_start3A_247 = arith.constant 0 : i32
      %dma_start3A_248 = tpu.memref_slice %dma_start3A_245[%dma_start3A_246, %dma_start3A_247] : memref<20x1024xf32, #tpu.memory_space<hbm>> -> memref<24x1024xf32, #tpu.memory_space<hbm>>
      %dma_start3A_249 = arith.constant 0 : i32
      %dma_start3A_250 = arith.constant 0 : i32
      %dma_start3A_251 = tpu.memref_slice %arg4[%add3A_233, %dma_start3A_249, %dma_start3A_250] : memref<4096x20x1024xf32, #tpu.memory_space<hbm>> -> memref<1x20x1024xf32, #tpu.memory_space<hbm>>
      %dma_start3A_252 = tpu.memref_squeeze %dma_start3A_251 : memref<1x20x1024xf32, #tpu.memory_space<hbm>> -> memref<20x1024xf32, #tpu.memory_space<hbm>>
      %dma_start3A_253 = arith.constant 0 : i32
      %dma_start3A_254 = arith.constant 0 : i32
      %dma_start3A_255 = tpu.memref_slice %dma_start3A_252[%dma_start3A_253, %dma_start3A_254] : memref<20x1024xf32, #tpu.memory_space<hbm>> -> memref<24x1024xf32, #tpu.memory_space<hbm>>
      %dma_start3A_256 = arith.constant 0 : i32
      %dma_start3A_257 = arith.constant 0 : i32
      %dma_start3A_258 = tpu.memref_slice %arg6[%dma_start3A_234, %dma_start3A_256, %dma_start3A_257] : memref<4x24x1024xf32, #tpu.memory_space<vmem>> -> memref<1x24x1024xf32, #tpu.memory_space<vmem>>
      %dma_start3A_259 = tpu.memref_squeeze %dma_start3A_258 : memref<1x24x1024xf32, #tpu.memory_space<vmem>> -> memref<24x1024xf32, #tpu.memory_space<vmem>>
      %dma_start3A_260 = arith.constant 0 : i32
      %dma_start3A_261 = arith.constant 0 : i32
      %dma_start3A_262 = tpu.memref_slice %dma_start3A_259[%dma_start3A_260, %dma_start3A_261] : memref<24x1024xf32, #tpu.memory_space<vmem>> -> memref<24x1024xf32, #tpu.memory_space<vmem>>
      tpu.enqueue_dma source(%dma_start3A_262 : memref<24x1024xf32, #tpu.memory_space<vmem>>) target(%dma_start3A_255 : memref<24x1024xf32, #tpu.memory_space<hbm>>) target_semaphore(%arg13 : memref<!tpu.dma_semaphore, #tpu.memory_space<semaphore_mem>>)
      %dma_wait3A_263 = arith.constant 2 : i32
      %dma_wait3A_264 = arith.constant 0 : i32
      %dma_wait3A_265 = arith.constant 0 : i32
      %dma_wait3A_266 = tpu.memref_slice %arg6[%dma_wait3A_263, %dma_wait3A_264, %dma_wait3A_265] : memref<4x24x1024xf32, #tpu.memory_space<vmem>> -> memref<1x24x1024xf32, #tpu.memory_space<vmem>>
      %dma_wait3A_267 = tpu.memref_squeeze %dma_wait3A_266 : memref<1x24x1024xf32, #tpu.memory_space<vmem>> -> memref<24x1024xf32, #tpu.memory_space<vmem>>
      %dma_wait3A_268 = arith.constant 0 : i32
      %dma_wait3A_269 = arith.constant 0 : i32
      %dma_wait3A_270 = tpu.memref_slice %dma_wait3A_267[%dma_wait3A_268, %dma_wait3A_269] : memref<24x1024xf32, #tpu.memory_space<vmem>> -> memref<24x1024xf32, #tpu.memory_space<vmem>>
      %dma_wait3A_271 = arith.constant 0 : i32
      %dma_wait3A_272 = arith.constant 0 : i32
      %dma_wait3A_273 = tpu.memref_slice %arg4[%add3A_233, %dma_wait3A_271, %dma_wait3A_272] : memref<4096x20x1024xf32, #tpu.memory_space<hbm>> -> memref<1x20x1024xf32, #tpu.memory_space<hbm>>
      %dma_wait3A_274 = tpu.memref_squeeze %dma_wait3A_273 : memref<1x20x1024xf32, #tpu.memory_space<hbm>> -> memref<20x1024xf32, #tpu.memory_space<hbm>>
      %dma_wait3A_275 = arith.constant 0 : i32
      %dma_wait3A_276 = arith.constant 0 : i32
      %dma_wait3A_277 = tpu.memref_slice %dma_wait3A_274[%dma_wait3A_275, %dma_wait3A_276] : memref<20x1024xf32, #tpu.memory_space<hbm>> -> memref<24x1024xf32, #tpu.memory_space<hbm>>
      %dma_wait3A_278 = arith.constant 0 : i32
      %dma_wait3A_279 = arith.constant 0 : i32
      %dma_wait3A_280 = tpu.memref_slice %arg4[%add3A_233, %dma_wait3A_278, %dma_wait3A_279] : memref<4096x20x1024xf32, #tpu.memory_space<hbm>> -> memref<1x20x1024xf32, #tpu.memory_space<hbm>>
      %dma_wait3A_281 = tpu.memref_squeeze %dma_wait3A_280 : memref<1x20x1024xf32, #tpu.memory_space<hbm>> -> memref<20x1024xf32, #tpu.memory_space<hbm>>
      %dma_wait3A_282 = arith.constant 0 : i32
      %dma_wait3A_283 = arith.constant 0 : i32
      %dma_wait3A_284 = tpu.memref_slice %dma_wait3A_281[%dma_wait3A_282, %dma_wait3A_283] : memref<20x1024xf32, #tpu.memory_space<hbm>> -> memref<24x1024xf32, #tpu.memory_space<hbm>>
      %dma_wait3A_285 = arith.constant 0 : i32
      %dma_wait3A_286 = arith.constant 0 : i32
      %dma_wait3A_287 = tpu.memref_slice %arg6[%dma_wait3A_263, %dma_wait3A_285, %dma_wait3A_286] : memref<4x24x1024xf32, #tpu.memory_space<vmem>> -> memref<1x24x1024xf32, #tpu.memory_space<vmem>>
      %dma_wait3A_288 = tpu.memref_squeeze %dma_wait3A_287 : memref<1x24x1024xf32, #tpu.memory_space<vmem>> -> memref<24x1024xf32, #tpu.memory_space<vmem>>
      %dma_wait3A_289 = arith.constant 0 : i32
      %dma_wait3A_290 = arith.constant 0 : i32
      %dma_wait3A_291 = tpu.memref_slice %dma_wait3A_288[%dma_wait3A_289, %dma_wait3A_290] : memref<24x1024xf32, #tpu.memory_space<vmem>> -> memref<24x1024xf32, #tpu.memory_space<vmem>>
      tpu.wait_dma2 semaphore(%arg13 : memref<!tpu.dma_semaphore, #tpu.memory_space<semaphore_mem>>) src(%dma_wait3A_291 : memref<24x1024xf32, #tpu.memory_space<vmem>>) dst(%dma_wait3A_284 : memref<24x1024xf32, #tpu.memory_space<hbm>>)
      %lt3A_292 = arith.constant 31 : i32
      %lt3A_293 = arith.cmpi slt, %scan3A_51, %lt3A_292 : i32
      %convert_element_type3A_294 = arith.extui %lt3A_293 : i1 to i32
      %cond3A_295 = arith.constant 0 : i32
      %cond3A_296 = arith.cmpi ne, %convert_element_type3A_294, %cond3A_295 : i32
      scf.if %cond3A_296 {
        %add3A_380 = arith.constant 4 : i32
        %add3A_381 = arith.addi %add3A_217, %add3A_380 : i32
        %mul3A_382 = arith.constant 24 : i32
        %mul3A_383 = arith.muli %add3A_381, %mul3A_382 : i32
        %dma_start3A_384 = arith.constant 2 : i32
        %dma_start3A_385 = arith.constant 0 : i32
        %dma_start3A_386 = arith.constant 0 : i32
        %dma_start3A_387 = tpu.memref_slice %arg6[%dma_start3A_384, %dma_start3A_385, %dma_start3A_386] : memref<4x24x1024xf32, #tpu.memory_space<vmem>> -> memref<1x24x1024xf32, #tpu.memory_space<vmem>>
        %dma_start3A_388 = tpu.memref_squeeze %dma_start3A_387 : memref<1x24x1024xf32, #tpu.memory_space<vmem>> -> memref<24x1024xf32, #tpu.memory_space<vmem>>
        %dma_start3A_389 = tpu.memref_slice %arg5[%mul3A_383] : memref<3072xi32, #tpu.memory_space<vmem>> -> memref<24xi32, #tpu.memory_space<vmem>>
        %dma_start3A_390 = arith.constant 0 : i32
        %dma_start3A_391 = arith.constant 0 : i32
        %dma_start3A_392 = tpu.memref_slice %arg2[%dma_start3A_390, %dma_start3A_391] : memref<30522x1024xf32, #tpu.memory_space<hbm>> -> memref<30522x1024xf32, #tpu.memory_space<hbm>>
        tpu.enqueue_indirect_dma source(%dma_start3A_392 : memref<30522x1024xf32, #tpu.memory_space<hbm>>) target(%dma_start3A_388 : memref<24x1024xf32, #tpu.memory_space<vmem>>) offsets(%dma_start3A_389 : memref<24xi32, #tpu.memory_space<vmem>>) semaphore(%arg9 : memref<!tpu.dma_semaphore, #tpu.memory_space<semaphore_mem>>)
      } else {
      }
      %mul3A_297 = arith.constant 4 : i32
      %mul3A_298 = arith.muli %scan3A_51, %mul3A_297 : i32
      %add3A_299 = arith.constant 3 : i32
      %add3A_300 = arith.addi %mul3A_298, %add3A_299 : i32
      %mul3A_301 = arith.constant 24 : i32
      %mul3A_302 = arith.muli %add3A_300, %mul3A_301 : i32
      %dma_wait3A_303 = arith.constant 3 : i32
      %dma_wait3A_304 = arith.constant 0 : i32
      %dma_wait3A_305 = arith.constant 0 : i32
      %dma_wait3A_306 = tpu.memref_slice %arg6[%dma_wait3A_303, %dma_wait3A_304, %dma_wait3A_305] : memref<4x24x1024xf32, #tpu.memory_space<vmem>> -> memref<1x24x1024xf32, #tpu.memory_space<vmem>>
      %dma_wait3A_307 = tpu.memref_squeeze %dma_wait3A_306 : memref<1x24x1024xf32, #tpu.memory_space<vmem>> -> memref<24x1024xf32, #tpu.memory_space<vmem>>
      %dma_wait3A_308 = tpu.memref_slice %arg5[%mul3A_302] : memref<3072xi32, #tpu.memory_space<vmem>> -> memref<24xi32, #tpu.memory_space<vmem>>
      %dma_wait3A_309 = arith.constant 0 : i32
      %dma_wait3A_310 = arith.constant 0 : i32
      %dma_wait3A_311 = tpu.memref_slice %arg2[%dma_wait3A_309, %dma_wait3A_310] : memref<30522x1024xf32, #tpu.memory_space<hbm>> -> memref<30522x1024xf32, #tpu.memory_space<hbm>>
      tpu.wait_indirect_dma semaphore(%arg10 : memref<!tpu.dma_semaphore, #tpu.memory_space<semaphore_mem>>) src(%dma_wait3A_311 : memref<30522x1024xf32, #tpu.memory_space<hbm>>) dst(%dma_wait3A_307 : memref<24x1024xf32, #tpu.memory_space<vmem>>)
      %mul3A_312 = arith.constant 1 : i32
      %mul3A_313 = arith.muli %mul3A_312, %add3A_300 : i32
      %add3A_314 = arith.addi %mul3A_2, %mul3A_313 : i32
      %add3A_315 = arith.constant 0 : i32
      %add3A_316 = arith.addi %add3A_314, %add3A_315 : i32
      %dma_start3A_317 = arith.constant 3 : i32
      %dma_start3A_318 = arith.constant 0 : i32
      %dma_start3A_319 = arith.constant 0 : i32
      %dma_start3A_320 = tpu.memref_slice %arg6[%dma_start3A_317, %dma_start3A_318, %dma_start3A_319] : memref<4x24x1024xf32, #tpu.memory_space<vmem>> -> memref<1x24x1024xf32, #tpu.memory_space<vmem>>
      %dma_start3A_321 = tpu.memref_squeeze %dma_start3A_320 : memref<1x24x1024xf32, #tpu.memory_space<vmem>> -> memref<24x1024xf32, #tpu.memory_space<vmem>>
      %dma_start3A_322 = arith.constant 0 : i32
      %dma_start3A_323 = arith.constant 0 : i32
      %dma_start3A_324 = tpu.memref_slice %dma_start3A_321[%dma_start3A_322, %dma_start3A_323] : memref<24x1024xf32, #tpu.memory_space<vmem>> -> memref<24x1024xf32, #tpu.memory_space<vmem>>
      %dma_start3A_325 = arith.constant 0 : i32
      %dma_start3A_326 = arith.constant 0 : i32
      %dma_start3A_327 = tpu.memref_slice %arg4[%add3A_316, %dma_start3A_325, %dma_start3A_326] : memref<4096x20x1024xf32, #tpu.memory_space<hbm>> -> memref<1x20x1024xf32, #tpu.memory_space<hbm>>
      %dma_start3A_328 = tpu.memref_squeeze %dma_start3A_327 : memref<1x20x1024xf32, #tpu.memory_space<hbm>> -> memref<20x1024xf32, #tpu.memory_space<hbm>>
      %dma_start3A_329 = arith.constant 0 : i32
      %dma_start3A_330 = arith.constant 0 : i32
      %dma_start3A_331 = tpu.memref_slice %dma_start3A_328[%dma_start3A_329, %dma_start3A_330] : memref<20x1024xf32, #tpu.memory_space<hbm>> -> memref<24x1024xf32, #tpu.memory_space<hbm>>
      %dma_start3A_332 = arith.constant 0 : i32
      %dma_start3A_333 = arith.constant 0 : i32
      %dma_start3A_334 = tpu.memref_slice %arg4[%add3A_316, %dma_start3A_332, %dma_start3A_333] : memref<4096x20x1024xf32, #tpu.memory_space<hbm>> -> memref<1x20x1024xf32, #tpu.memory_space<hbm>>
      %dma_start3A_335 = tpu.memref_squeeze %dma_start3A_334 : memref<1x20x1024xf32, #tpu.memory_space<hbm>> -> memref<20x1024xf32, #tpu.memory_space<hbm>>
      %dma_start3A_336 = arith.constant 0 : i32
      %dma_start3A_337 = arith.constant 0 : i32
      %dma_start3A_338 = tpu.memref_slice %dma_start3A_335[%dma_start3A_336, %dma_start3A_337] : memref<20x1024xf32, #tpu.memory_space<hbm>> -> memref<24x1024xf32, #tpu.memory_space<hbm>>
      %dma_start3A_339 = arith.constant 0 : i32
      %dma_start3A_340 = arith.constant 0 : i32
      %dma_start3A_341 = tpu.memref_slice %arg6[%dma_start3A_317, %dma_start3A_339, %dma_start3A_340] : memref<4x24x1024xf32, #tpu.memory_space<vmem>> -> memref<1x24x1024xf32, #tpu.memory_space<vmem>>
      %dma_start3A_342 = tpu.memref_squeeze %dma_start3A_341 : memref<1x24x1024xf32, #tpu.memory_space<vmem>> -> memref<24x1024xf32, #tpu.memory_space<vmem>>
      %dma_start3A_343 = arith.constant 0 : i32
      %dma_start3A_344 = arith.constant 0 : i32
      %dma_start3A_345 = tpu.memref_slice %dma_start3A_342[%dma_start3A_343, %dma_start3A_344] : memref<24x1024xf32, #tpu.memory_space<vmem>> -> memref<24x1024xf32, #tpu.memory_space<vmem>>
      tpu.enqueue_dma source(%dma_start3A_345 : memref<24x1024xf32, #tpu.memory_space<vmem>>) target(%dma_start3A_338 : memref<24x1024xf32, #tpu.memory_space<hbm>>) target_semaphore(%arg14 : memref<!tpu.dma_semaphore, #tpu.memory_space<semaphore_mem>>)
      %dma_wait3A_346 = arith.constant 3 : i32
      %dma_wait3A_347 = arith.constant 0 : i32
      %dma_wait3A_348 = arith.constant 0 : i32
      %dma_wait3A_349 = tpu.memref_slice %arg6[%dma_wait3A_346, %dma_wait3A_347, %dma_wait3A_348] : memref<4x24x1024xf32, #tpu.memory_space<vmem>> -> memref<1x24x1024xf32, #tpu.memory_space<vmem>>
      %dma_wait3A_350 = tpu.memref_squeeze %dma_wait3A_349 : memref<1x24x1024xf32, #tpu.memory_space<vmem>> -> memref<24x1024xf32, #tpu.memory_space<vmem>>
      %dma_wait3A_351 = arith.constant 0 : i32
      %dma_wait3A_352 = arith.constant 0 : i32
      %dma_wait3A_353 = tpu.memref_slice %dma_wait3A_350[%dma_wait3A_351, %dma_wait3A_352] : memref<24x1024xf32, #tpu.memory_space<vmem>> -> memref<24x1024xf32, #tpu.memory_space<vmem>>
      %dma_wait3A_354 = arith.constant 0 : i32
      %dma_wait3A_355 = arith.constant 0 : i32
      %dma_wait3A_356 = tpu.memref_slice %arg4[%add3A_316, %dma_wait3A_354, %dma_wait3A_355] : memref<4096x20x1024xf32, #tpu.memory_space<hbm>> -> memref<1x20x1024xf32, #tpu.memory_space<hbm>>
      %dma_wait3A_357 = tpu.memref_squeeze %dma_wait3A_356 : memref<1x20x1024xf32, #tpu.memory_space<hbm>> -> memref<20x1024xf32, #tpu.memory_space<hbm>>
      %dma_wait3A_358 = arith.constant 0 : i32
      %dma_wait3A_359 = arith.constant 0 : i32
      %dma_wait3A_360 = tpu.memref_slice %dma_wait3A_357[%dma_wait3A_358, %dma_wait3A_359] : memref<20x1024xf32, #tpu.memory_space<hbm>> -> memref<24x1024xf32, #tpu.memory_space<hbm>>
      %dma_wait3A_361 = arith.constant 0 : i32
      %dma_wait3A_362 = arith.constant 0 : i32
      %dma_wait3A_363 = tpu.memref_slice %arg4[%add3A_316, %dma_wait3A_361, %dma_wait3A_362] : memref<4096x20x1024xf32, #tpu.memory_space<hbm>> -> memref<1x20x1024xf32, #tpu.memory_space<hbm>>
      %dma_wait3A_364 = tpu.memref_squeeze %dma_wait3A_363 : memref<1x20x1024xf32, #tpu.memory_space<hbm>> -> memref<20x1024xf32, #tpu.memory_space<hbm>>
      %dma_wait3A_365 = arith.constant 0 : i32
      %dma_wait3A_366 = arith.constant 0 : i32
      %dma_wait3A_367 = tpu.memref_slice %dma_wait3A_364[%dma_wait3A_365, %dma_wait3A_366] : memref<20x1024xf32, #tpu.memory_space<hbm>> -> memref<24x1024xf32, #tpu.memory_space<hbm>>
      %dma_wait3A_368 = arith.constant 0 : i32
      %dma_wait3A_369 = arith.constant 0 : i32
      %dma_wait3A_370 = tpu.memref_slice %arg6[%dma_wait3A_346, %dma_wait3A_368, %dma_wait3A_369] : memref<4x24x1024xf32, #tpu.memory_space<vmem>> -> memref<1x24x1024xf32, #tpu.memory_space<vmem>>
      %dma_wait3A_371 = tpu.memref_squeeze %dma_wait3A_370 : memref<1x24x1024xf32, #tpu.memory_space<vmem>> -> memref<24x1024xf32, #tpu.memory_space<vmem>>
      %dma_wait3A_372 = arith.constant 0 : i32
      %dma_wait3A_373 = arith.constant 0 : i32
      %dma_wait3A_374 = tpu.memref_slice %dma_wait3A_371[%dma_wait3A_372, %dma_wait3A_373] : memref<24x1024xf32, #tpu.memory_space<vmem>> -> memref<24x1024xf32, #tpu.memory_space<vmem>>
      tpu.wait_dma2 semaphore(%arg14 : memref<!tpu.dma_semaphore, #tpu.memory_space<semaphore_mem>>) src(%dma_wait3A_374 : memref<24x1024xf32, #tpu.memory_space<vmem>>) dst(%dma_wait3A_367 : memref<24x1024xf32, #tpu.memory_space<hbm>>)
      %lt3A_375 = arith.constant 31 : i32
      %lt3A_376 = arith.cmpi slt, %scan3A_51, %lt3A_375 : i32
      %convert_element_type3A_377 = arith.extui %lt3A_376 : i1 to i32
      %cond3A_378 = arith.constant 0 : i32
      %cond3A_379 = arith.cmpi ne, %convert_element_type3A_377, %cond3A_378 : i32
      scf.if %cond3A_379 {
        %add3A_380 = arith.constant 4 : i32
        %add3A_381 = arith.addi %add3A_300, %add3A_380 : i32
        %mul3A_382 = arith.constant 24 : i32
        %mul3A_383 = arith.muli %add3A_381, %mul3A_382 : i32
        %dma_start3A_384 = arith.constant 3 : i32
        %dma_start3A_385 = arith.constant 0 : i32
        %dma_start3A_386 = arith.constant 0 : i32
        %dma_start3A_387 = tpu.memref_slice %arg6[%dma_start3A_384, %dma_start3A_385, %dma_start3A_386] : memref<4x24x1024xf32, #tpu.memory_space<vmem>> -> memref<1x24x1024xf32, #tpu.memory_space<vmem>>
        %dma_start3A_388 = tpu.memref_squeeze %dma_start3A_387 : memref<1x24x1024xf32, #tpu.memory_space<vmem>> -> memref<24x1024xf32, #tpu.memory_space<vmem>>
        %dma_start3A_389 = tpu.memref_slice %arg5[%mul3A_383] : memref<3072xi32, #tpu.memory_space<vmem>> -> memref<24xi32, #tpu.memory_space<vmem>>
        %dma_start3A_390 = arith.constant 0 : i32
        %dma_start3A_391 = arith.constant 0 : i32
        %dma_start3A_392 = tpu.memref_slice %arg2[%dma_start3A_390, %dma_start3A_391] : memref<30522x1024xf32, #tpu.memory_space<hbm>> -> memref<30522x1024xf32, #tpu.memory_space<hbm>>
        tpu.enqueue_indirect_dma source(%dma_start3A_392 : memref<30522x1024xf32, #tpu.memory_space<hbm>>) target(%dma_start3A_388 : memref<24x1024xf32, #tpu.memory_space<vmem>>) offsets(%dma_start3A_389 : memref<24xi32, #tpu.memory_space<vmem>>) semaphore(%arg10 : memref<!tpu.dma_semaphore, #tpu.memory_space<semaphore_mem>>)
      } else {
      }
    }
    %scan3A_50 = arith.constant 32 : i32
    return
  }
}

module attributes {stable_mosaic.version = 14 : i64} {
  func.func @_proj_body(%arg0: i32, %arg1: memref<1024x768xf32, #tpu.memory_space<vmem>>, %arg2: memref<768x1024xf32, #tpu.memory_space<vmem>>, %arg3: memref<1x1024xf32, #tpu.memory_space<vmem>>, %arg4: memref<4096x20xi32, #tpu.memory_space<vmem>>, %arg5: memref<1024x1024xf32, #tpu.memory_space<vmem>>, %arg6: memref<4096x20xi32, #tpu.memory_space<vmem>>) attributes {dimension_semantics = [#tpu.dimension_semantics<arbitrary>], iteration_bounds = array<i64: 30>, scalar_prefetch = 0 : i64, scratch_operands = 0 : i64, tpu.core_type = #tpu.core_type<tc>, window_params = [{transform_indices = @transform_0, window_bounds = array<i64: 1024, 768>}, {pipeline_mode = #tpu.pipeline_mode<synchronous>, transform_indices = @transform_1, window_bounds = array<i64: 768, 1024>}, {pipeline_mode = #tpu.pipeline_mode<synchronous>, transform_indices = @transform_2, window_bounds = array<i64: 1, 1024>}, {pipeline_mode = #tpu.pipeline_mode<synchronous>, transform_indices = @transform_3, window_bounds = array<i64: 4096, 20>}, {transform_indices = @transform_4, window_bounds = array<i64: 1024, 1024>}, {pipeline_mode = #tpu.pipeline_mode<synchronous>, transform_indices = @transform_5, window_bounds = array<i64: 4096, 20>}]} {
    %get3A = arith.constant 0 : index
    %get3A_0 = arith.constant 0 : index
    %get3A_1 = vector.load %arg1[%get3A, %get3A_0] : memref<1024x768xf32, #tpu.memory_space<vmem>>, vector<1024x768xf32>
    %convert_element_type3A = arith.truncf %get3A_1 : vector<1024x768xf32> to vector<1024x768xbf16>
    %get3A_2 = arith.constant 0 : index
    %get3A_3 = arith.constant 0 : index
    %get3A_4 = vector.load %arg2[%get3A_2, %get3A_3] : memref<768x1024xf32, #tpu.memory_space<vmem>>, vector<768x1024xf32>
    %convert_element_type3A_5 = arith.truncf %get3A_4 : vector<768x1024xf32> to vector<768x1024xbf16>
    %dot_general3A = arith.constant dense<0.000000e+00> : vector<1024x1024xf32>
    %dot_general3A_6 = tpu.matmul %convert_element_type3A, %convert_element_type3A_5, %dot_general3A {dimension_numbers = #tpu.dot_dimension_numbers<[1], [0], [0], [1], [0, 0, 1, 1], [], []>, transpose_lhs_hint = false} : vector<1024x768xbf16>, vector<768x1024xbf16>, vector<1024x1024xf32> -> vector<1024x1024xf32>
    %get3A_7 = arith.constant 0 : index
    %get3A_8 = arith.constant 0 : index
    %get3A_9 = vector.load %arg3[%get3A_7, %get3A_8] : memref<1x1024xf32, #tpu.memory_space<vmem>>, vector<1x1024xf32>
    %add3A = vector.broadcast %get3A_9 : vector<1x1024xf32> to vector<1024x1024xf32>
    %add3A_10 = arith.addf %dot_general3A_6, %add3A : vector<1024x1024xf32>
    %swap3A = arith.constant 0 : index
    %swap3A_11 = arith.constant 0 : index
    %swap3A_12 = vector.load %arg5[%swap3A, %swap3A_11] : memref<1024x1024xf32, #tpu.memory_space<vmem>>, vector<1024x1024xf32>
    tpu.vector_store %arg5[%swap3A, %swap3A_11], %add3A_10 {strides = array<i32>} : memref<1024x1024xf32, #tpu.memory_space<vmem>>, vector<1024x1024xf32>,
    %eq3A = arith.constant 0 : i32
    %eq3A_13 = arith.cmpi eq, %arg0, %eq3A : i32
    %convert_element_type3A_14 = arith.extui %eq3A_13 : i1 to i32
    %cond3A = arith.constant 0 : i32
    %cond3A_15 = arith.cmpi ne, %convert_element_type3A_14, %cond3A : i32
    scf.if %cond3A_15 {
      %get3A_16 = arith.constant 0 : index
      %get3A_17 = arith.constant 0 : index
      %get3A_18 = vector.load %arg4[%get3A_16, %get3A_17] : memref<4096x20xi32, #tpu.memory_space<vmem>>, vector<4096x20xi32>
      %eq3A_19 = arith.constant 0 : i32
      %eq3A_20 = vector.broadcast %eq3A_19 : i32 to vector<4096x20xi32>
      %eq3A_21 = arith.cmpi eq, %get3A_18, %eq3A_20 : vector<4096x20xi32>
      %convert_element_type3A_22 = arith.extui %eq3A_21 : vector<4096x20xi1> to vector<4096x20xi32>
      %swap3A_23 = arith.constant 0 : index
      %swap3A_24 = arith.constant 0 : index
      %swap3A_25 = vector.load %arg6[%swap3A_23, %swap3A_24] : memref<4096x20xi32, #tpu.memory_space<vmem>>, vector<4096x20xi32>
      tpu.vector_store %arg6[%swap3A_23, %swap3A_24], %convert_element_type3A_22 {strides = array<i32>} : memref<4096x20xi32, #tpu.memory_space<vmem>>, vector<4096x20xi32>,
    } else {
    }
    return
  }
  func.func @transform_0(%arg0: i32) -> (i32, i32) {
    %c0_i32 = arith.constant 0 : i32
    %c0_i32_0 = arith.constant 0 : i32
    return %arg0, %c0_i32 : i32, i32
  }
  func.func @transform_1(%arg0: i32) -> (i32, i32) {
    %c0_i32 = arith.constant 0 : i32
    %c0_i32_0 = arith.constant 0 : i32
    %c0_i32_1 = arith.constant 0 : i32
    return %c0_i32, %c0_i32_0 : i32, i32
  }
  func.func @transform_2(%arg0: i32) -> (i32, i32) {
    %c0_i32 = arith.constant 0 : i32
    %c0_i32_0 = arith.constant 0 : i32
    %c0_i32_1 = arith.constant 0 : i32
    return %c0_i32, %c0_i32_0 : i32, i32
  }
  func.func @transform_3(%arg0: i32) -> (i32, i32) {
    %c0_i32 = arith.constant 0 : i32
    %c0_i32_0 = arith.constant 0 : i32
    %c0_i32_1 = arith.constant 0 : i32
    return %c0_i32, %c0_i32_0 : i32, i32
  }
  func.func @transform_4(%arg0: i32) -> (i32, i32) {
    %c0_i32 = arith.constant 0 : i32
    %c0_i32_0 = arith.constant 0 : i32
    return %arg0, %c0_i32 : i32, i32
  }
  func.func @transform_5(%arg0: i32) -> (i32, i32) {
    %c0_i32 = arith.constant 0 : i32
    %c0_i32_0 = arith.constant 0 : i32
    %c0_i32_1 = arith.constant 0 : i32
    return %c0_i32, %c0_i32_0 : i32, i32
  }
}

</mosaic_0001>

<sc_bundles>
// kernel: kernel.4.cloned.1.call-start
scs
__scs_entry_jumppad:
0x0: {  	(pc) =	sbr.rel $0x88, $3  }
0x1: {  	(tag) =	ssettag $0x0;
	lr =	simm.s32 $0x1  }
0x2: {  	[smem:$0x3F9C] =	sst lr;
	_ =	strace $0xD0000000  }
0x3: {  	_ = 	snop  }
0x4: {  	_ = 	snop  }
0x5: {  	_ = 	snop  }
0x6: {  	_ = 	snop  }
0x7: {  	_ = 	snop  }
__scs_overlays_trampoline_lowered:
0x8: {  	[smem:$0x3FAB] =	sst s0  }
0x9: {  	[smem:$0x3FAC] =	sst s1  }
0xa: {  	[smem:$0x3FAD] =	sst s2  }
0xb: {  	[smem:$0x3FAE] =	sst s3  }
0xc: {  	[smem:$0x3FAF] =	sst s4  }
0xd: {  	[smem:$0x3FB0] =	sst s5  }
0xe: {  	[smem:$0x3FB1] =	sst s6  }
0xf: {  	[smem:$0x3FB2] =	sst s7  }
0x10: {  	[smem:$0x3FB3] =	sst s8  }
0x11: {  	[smem:$0x3FB4] =	sst s9;
	s0 =	simm.s32 @!p0 $0x0  }
0x12: {  	s1 =	sld [smem:$0x3F9A];
	s0 =	simm.s32 @p0 $0x1  }
0x13: {  	[smem:$0x3FB5] =	sst s0;
	s0 =	simm.s32 @!p1 $0x0  }
0x14: {  	s2 =	sld [smem:$0x3F99];
	s0 =	simm.s32 @p1 $0x1  }
0x15: {  	[smem:$0x3FB6] =	sst s0;
	s0 =	simm.s32 @!p2 $0x0  }
0x16: {  	s3 =	sld [smem:$0x3FDB];
	s0 =	simm.s32 @p2 $0x1  }
0x17: {  	s4 =	simm.s32 $0x1BF5;
	[smem:$0x3FB8] =	sst s0  }
0x18: {  	s0 =	sld [smem:$0x3F9B];
	_ =	swait.ge [sflag:s4], $0x0  }
0x19: {  	s7 =	sld [smem:$0x3F9C]  }
0x1a: {  	s8 =	sadd.s32 $0xFFFFE003, lr  }
0x1b: {  	s9 =	sadd.s32 $0xFFFFFEF7, lr;
	s5 =	simm.s32 $0xFFFFFFFF;
	p2 =	slt.u32 s8, $0xFFFFF086  }
0x1c: {  	p1 =	slt.u32 s9, $0xF7A;
	s5 =	simm.s32 @!p2 $0x0  }
0x1d: {  	s5 =	simm.s32 @p1 $0x1;
	p0 =	seq.s32 s7, s2  }
0x1e: {  	s7 =	smul.u32 @!p0 $0xF7A, s2;
	p2 =	seq.s32 @!p0 s5, $0x0  }
0x1f: {  	s9 =	smul.u32 $0xF7A, s1;
	s8 =	simm.s32 @!p0 $0x1BF5;
	p2 =	por !p2, p0  }
0x20: {  	[sflag:s8] =	ssyncset.s32 @!p0 $0xFFFFF086;
	s6 =	sadd.s32 @!p0 s3, s7;
	s7 =	simm.s32 @!p0 $0x108  }
0x21: {  	s3 =	sadd.s32 s3, s9;
	s6 =	sadd.s32 @!p0 $0x88, s6;
	s7 =	simm.s32 @p2 $0x1082  }
0x22: {  	[simem:s7], [sflag:s8] =	dma.local @!p0 [hbm:s6], $0xF7A  }
0x23: {  	s9 =	sor.u32 $0xD0000000, s2;
	s6 =	simm.s32 $0x108;
	_ =	swait.ge @!p0 [sflag:s8], $0x0  }
0x24: {  	s3 =	sadd.s32 $0x88, s3;
	s6 =	simm.s32 @!p1 $0x1082;
	[sflag:s4] =	ssyncset.s32 $0xFFFFF086  }
0x25: {  	[simem:s6], [sflag:s4] =	dma.local [hbm:s3], $0xF7A  }
0x26: {  	[smem:$0x3F9C] =	sst s1;
	(tag) =	ssettag s2;
	_ =	strace s9  }
0x27: {  	s1 =	sld [smem:$0x3FAC]  }
0x28: {  	s2 =	sld [smem:$0x3FAD]  }
0x29: {  	s4 =	sld [smem:$0x3FAF]  }
0x2a: {  	p0 =	seq.s32 s5, $0x0;
	s5 =	sld [smem:$0x3FB0]  }
0x2b: {  	s6 =	sld [smem:$0x3FB1]  }
0x2c: {  	s7 =	sld [smem:$0x3FB2]  }
0x2d: {  	s3 =	simm.s32 $0x108;
	s8 =	sld [smem:$0x3FB3]  }
0x2e: {  	s3 =	simm.s32 @!p0 $0x1082;
	s9 =	sld [smem:$0x3FB4]  }
0x2f: {  	lr =	sadd.s32 s0, s3;
	s0 =	sld [smem:$0x3FAB]  }
0x30: {  	s3 =	sld [smem:$0x3FAE]  }
0x31: {  	[smem:$0x3FB7] =	sst s10  }
0x32: {  	s10 =	sld [smem:$0x3FB5];
	_ =	sdelay $0x3  }
0x33: {  	p0 =	seq.s32 s10, $0x1;
	s10 =	sld [smem:$0x3FB7];
	_ =	sdelay $0x3  }
0x34: {  	[smem:$0x3FB7] =	sst s10  }
0x35: {  	s10 =	sld [smem:$0x3FB6];
	_ =	sdelay $0x3  }
0x36: {  	p1 =	seq.s32 s10, $0x1;
	s10 =	sld [smem:$0x3FB7];
	_ =	sdelay $0x3  }
0x37: {  	[smem:$0x3FB7] =	sst s10  }
0x38: {  	s10 =	sld [smem:$0x3FB8]  }
0x39: {  	_ = 	snop;
	(pc) =	sbr.ind lr, $3  }
0x3a: {  	_ = 	snop  }
0x3b: {  	_ = 	snop  }
0x3c: {  	p2 =	seq.s32 s10, $0x1;
	s10 =	sld [smem:$0x3FB7]  }
0x3d: {  	_ =	shalt  }
0x3e: {  	_ =	shalt  }
0x3f: {  	_ =	shalt  }
0x40: {  	_ =	shalt  }
0x41: {  	_ =	shalt  }
0x42: {  	_ =	shalt  }
0x43: {  	_ =	shalt  }
0x44: {  	_ =	shalt  }
0x45: {  	_ =	shalt  }
0x46: {  	_ =	shalt  }
0x47: {  	_ =	shalt  }
0x48: {  	_ =	shalt  }
0x49: {  	_ =	shalt  }
0x4a: {  	_ =	shalt  }
0x4b: {  	_ =	shalt  }
0x4c: {  	_ =	shalt  }
0x4d: {  	_ =	shalt  }
0x4e: {  	_ =	shalt  }
0x4f: {  	_ =	shalt  }
0x50: {  	_ =	shalt  }
0x51: {  	_ =	shalt  }
0x52: {  	_ =	shalt  }
0x53: {  	_ =	shalt  }
0x54: {  	_ =	shalt  }
0x55: {  	_ =	shalt  }
0x56: {  	_ =	shalt  }
0x57: {  	_ =	shalt  }
0x58: {  	_ =	shalt  }
0x59: {  	_ =	shalt  }
0x5a: {  	_ =	shalt  }
0x5b: {  	_ =	shalt  }
0x5c: {  	_ =	shalt  }
0x5d: {  	_ =	shalt  }
0x5e: {  	_ =	shalt  }
0x5f: {  	_ =	shalt  }
0x60: {  	_ =	shalt  }
0x61: {  	_ =	shalt  }
0x62: {  	_ =	shalt  }
0x63: {  	_ =	shalt  }
0x64: {  	_ =	shalt  }
0x65: {  	_ =	shalt  }
0x66: {  	_ =	shalt  }
0x67: {  	_ =	shalt  }
0x68: {  	_ =	shalt  }
0x69: {  	_ =	shalt  }
0x6a: {  	_ =	shalt  }
0x6b: {  	_ =	shalt  }
0x6c: {  	_ =	shalt  }
0x6d: {  	_ =	shalt  }
0x6e: {  	_ =	shalt  }
0x6f: {  	_ =	shalt  }
0x70: {  	_ =	shalt  }
0x71: {  	_ =	shalt  }
0x72: {  	_ =	shalt  }
0x73: {  	_ =	shalt  }
0x74: {  	_ =	shalt  }
0x75: {  	_ =	shalt  }
0x76: {  	_ =	shalt  }
0x77: {  	_ =	shalt  }
0x78: {  	_ =	shalt  }
0x79: {  	_ =	shalt  }
0x7a: {  	_ =	shalt  }
0x7b: {  	_ =	shalt  }
0x7c: {  	_ =	shalt  }
0x7d: {  	_ =	shalt  }
0x7e: {  	_ =	shalt  }
0x7f: {  	_ =	shalt  }
0x80: {  	_ =	shalt  }
0x81: {  	_ =	shalt  }
0x82: {  	_ =	shalt  }
0x83: {  	_ =	shalt  }
0x84: {  	_ =	shalt  }
0x85: {  	_ =	shalt  }
0x86: {  	_ =	shalt  }
0x87: {  	_ =	shalt  }
.Lfunc_end0:
.L_simem_size_0:
called_computation_lowered:
.L_overlay_start_0:
0x88: {  	s2 =	sld [smem:$0x3FD9]  }
0x89: {  	s3 =	sld [smem:$0x3FFE];
	_ =	sdelay $0x1  }
0x8a: {  	s1 =	srdreg.scid  }
0x8b: {  	s0 =	sand.u32 $0x1, s1  }
0x8c: {  	s14 =	sshll.u32 s0, $0xA;
	s2 =	sadd.s32 s3, s2  }
0x8d: {  	s2 =	sadd.s32 s2, s14  }
0x8e: {  	[smem:$0x3FC3] =	sst s2  }
0x8f: {  	_ = 	snop  }
0x90: {  	s2 =	sld [smem:$0x3FD0];
	_ =	sdelay $0x2  }
0x91: {  	s15 =	simm.s32 $0xA;
	s4 =	simm.s32 $0x10  }
0x92: {  	[smem:s4], [sflag:s15] =	dma.local [hbm:s2], $0x1  }
0x93: {  	_ =	swait.eq [sflag:s15], $0x1  }
0x94: {  	[sflag:s15] =	ssyncset.done $0x0  }
0x95: {  	[sflag:s15] =	ssyncadd.s32 $0xFFFFFFFF  }
0x96: {  	s16 =	sld [smem:$0x10];
	(tm) =	ssettm $0x1  }
0x97: {  	s17 =	sld [smem:$0x3FFB];
	_ =	sdelay $0x3  }
0x98: {  	_ =	strace s17  }
0x99: {  	s3 =	sld [smem:$0x3FFC];
	_ =	sdelay $0x3  }
0x9a: {  	_ =	strace s3  }
0x9b: {  	s3 =	sld [smem:$0x3FFD];
	_ =	sdelay $0x3  }
0x9c: {  	_ =	strace s3  }
0x9d: {  	_ =	strace $0x8FFFFFFF  }
0x9e: {  	s18 =	sld [smem:$0x3FDB];
	_ =	sdelay $0x1  }
0x9f: {  	s19 =	simm.s32 $_scs_section_size  }
0xa0: {  	s5 =	simm.s32 $_size__tile_overlayer_lowered;
	s6 =	simm.s32 $_tile_overlayer_lowered  }
0xa1: {  	s22 =	simm.s32 $0x1BFF;
	s21 =	sshll.u32 s6, $0x1;
	s3 =	sadd.s32 s19, s18  }
0xa2: {  	s7 =	simm.s32 $0x0;
	s20 =	sshll.u32 s5, $0x1;
	s5 =	sadd.s32 s21, s3  }
0xa3: {  	[timem:s7], [sflag:s22] =	dma.local [hbm:s5], s20  }
0xa4: {  	_ =	swait.ge [sflag:s22], s20  }
0xa5: {  	s4 =	ssub.s32 $0x0, s20;
	[sflag:s22] =	ssyncset.done $0x0  }
0xa6: {  	[sflag:s22] =	ssyncadd.s32 s4;
	_ =	sdelay $0x1  }
0xa7: {  	s23 =	simm.s32 $0x1B8B  }
0xa8: {  	_ =	swait.ge [sflag:s23], $0x1  }
0xa9: {  	[sflag:s23] =	ssyncset.done $0x0  }
0xaa: {  	s25 =	simm.s32 $0x1B8E;
	s24 =	sld [smem:$0x3FFE];
	[sflag:s23] =	ssyncadd.s32 $0xFFFFFFFF  }
0xab: {  	s26 =	simm.s32 $execute0_lowered;
	[smem:$0x3FD2] =	sst s25  }
0xac: {  	s5 =	sshll.u32 s26, $0x1;
	_ =	strace $0x80000046;
	[dreg:$0x1] =	wrdreg $0xFFFFFFFF  }
0xad: {  	s28 =	simm.s32 $_size_execute0_lowered;
	s3 =	sadd.s32 s3, s5;
	[dreg:$0x0] =	wrdreg $0x0  }
0xae: {  	s5 =	sshll.u32 s28, $0x1;
	[dreg:$0x2] =	wrdreg s3  }
0xaf: {  	[dreg:$0x3] =	wrdreg s5  }
0xb0: {  	[dreg:$0x4] =	wrdreg $0xC0  }
0xb1: {  	_ =	task [dreg:s7], $0x5FFFF  }
0xb2: {  	[dreg:$0x1] =	wrdreg $0xFFFFFFFF  }
0xb3: {  	[dreg:$0x0] =	wrdreg $0x60  }
0xb4: {  	[dreg:$0x2] =	wrdreg s16  }
0xb5: {  	[dreg:$0x3] =	wrdreg s24  }
0xb6: {  	[dreg:$0x4] =	wrdreg $0x9  }
0xb7: {  	_ =	task.clear_ibuf [dreg:s7], $0x5FFFF;
	_ =	strace $0x90000046  }
0xb8: {  	s29 =	simm.s32 $0x9;
	_ =	strace $0x80000048  }
0xb9: {  	_ =	swait.ge [sflag:s29], $0x1  }
0xba: {  	[sflag:s29] =	ssyncadd.s32 $0xFFFFFFFF  }
0xbb: {  	_ =	strace $0x90000048  }
0xbc: {  	_ =	sfence  }
0xbd: {  	s30 =	sld [smem:$0x0];
	_ =	sdelay $0x2  }
0xbe: {  	s31 =	sshll.u32 s1, $0xD;
	s1 =	sshrl.u32 s1, $0x2  }
0xbf: {  	s3 =	sand.u32 $0x4000, s31;
	s1 =	sadd.s32 s1, s30  }
0xc0: {  	s0 =	sor.u32 s3, s0;
	s1 =	sshll.u32 s1, $0x11  }
0xc1: {  	s0 =	sor.u32 s1, s0  }
0xc2: {  	s0 =	sadd.s32 $0x8F2B, s0  }
0xc3: {  	[sflag:s0] =	ssyncadd.remote.s32 $0x1  }
0xc4: {  	_ =	sfence.sel $0xFFFF  }
0xc5: {  	[dreg:$0x0] =	wrdreg $0xFFFFFFFF;
	(pc) =	sbr.abs _section_cstart, $3  }
0xc6: {  	[dreg:$0x1] =	wrdreg $0xFFFFFFFF  }
0xc7: {  	_ =	task.clear_ibuf [dreg:s7], $0x2FFFF;
	_ =	strace $0x9FFFFFFF  }
0xc8: {  	(tm) =	ssettm $0x7FFFFFFF  }
0xc9: {  	_ =	shalt  }
tec
execute0_lowered:
.L_overlay_start_1:
0x0: {  	(tag) =	ssettag $0x1  }
0x1: {  	s0 =	srdreg.scid  }
0x2: {  	s5 =	stileid.u32;
	s2 =	rddreg [dreg:$0x0]  }
0x3: {  	s4 =	rddreg [dreg:$0x1];
	s3 =	simm.s32 $0x0;
	s28 =	simm.s32 $0x12C00  }
0x4: {  	s30 =	simm.s32 $0x13C00;
	s31 =	simm.s32 $0x14400;
	s12 =	simm.s32 $0x15C00  }
0x5: {  	s13 =	simm.s32 $0x16400;
	s15 =	simm.s32 $0x16C00;
	s16 =	simm.s32 $0x17400  }
0x6: {  	s17 =	simm.s32 $0x17C00;
	s18 =	simm.s32 $0x18400;
	s19 =	simm.s32 $0x1  }
0x7: {  	s20 =	simm.s32 $0x5;
	s21 =	simm.s32 $0x2;
	s22 =	simm.s32 $0x6  }
0x8: {  	s24 =	simm.s32 $0x3;
	s25 =	simm.s32 $0x7;
	s10 =	simm.s32 $0x0  }
0x9: {  	s0 =	sand.u32 $0x1, s0;
	s1 =	sshll.u32 s5, $0x1;
	[smem:$0x7FF] =	sst s3  }
0xa: {  	s5 =	smul.u32 $0xC0000, s5;
	s7 =	sadd.s32 $0x300, s2;
	s6 =	ssub.s32 $0x2, s0  }
0xb: {  	s1 =	sor.u32 s0, s1;
	s0 =	smul.u32 $0x60000, s0;
	s26 =	sshrl.u32 s6, $0x1  }
0xc: {  	_ =	strace $0x80000047;
	s1 =	smul.u32 $0x180, s1;
	s8 =	ssub.s32 s6, s26  }
.Ltmp0:
0xd: {  	s6 =	sadd.s32 $0x200, s2;
	s26 =	simm.s32 $0x4;
	(pc) =	sbr.rel .LBB2_1-.Ltmp0, $4  }
0xe: {  	s1 =	sadd.s32 s1, s4;
	s4 =	sadd.s32 s5, s4;
	s29 =	smax.u32 s8, $0x1  }
0xf: {  	v2 =	vlaneseq.u32;
	s5 =	sadd.s32 $0x100, s2;
	s1 =	sadd.s32 $0xE00, s1;
	[dreg:$0x4] =	wrdreg s29  }
0x10: {  	vm0 =	vmmov $0xffff;
	v1 =	vshrl.u32 v2, $0x3;
	s0 =	sadd.s32 s0, s4;
	s4 =	simm.s32 $0x8;
	[dreg:$0x3] =	wrdreg s1  }
0x11: {  	v0 =	vand.u32 $0x7, v2;
	v2 =	vor.u32 $0x8, v2;
	v1 =	vmul.u32 $0x8, v1;
	s9 =	sadd.s32 $0x13E00, s0;
	s1 =	simm.s32 $0x14C00;
	s0 =	simm.s32 $0x15400  }
.LBB2_4:
0x12: {  	s10 =	rddreg [dreg:$0x5]  }
0x13: {  	s8 =	rddreg [dreg:$0x4];
	s10 =	sadd.s32 $0x1, s10  }
0x14: {  	p0 =	sne.s32 s10, s8  }
.Ltmp1:
0x15: {  	_ = 	snop;
	(pc) =	sbr.rel @!p0 .LBB2_5-.Ltmp1, $1  }
0x16: {  	_ =	sdelay $0x3  }
.LBB2_1:
0x17: {  	[dreg:$0x5] =	wrdreg s10  }
0x18: {  	s8 =	rddreg [dreg:$0x3];
	s14 =	simm.s32 $0x9  }
0x19: {  	[tilespmem:s3], [sflag:$0x9] =	stream.linear.gather [hbm4b:s8+s3], $0xC00, $0x38;
	[tilespmem:$0x18C00] =	vst v63  }
0x1a: {  	_ =	swait.ge [sflag:s14], $0xC00  }
0x1b: {  	[sflag:s14] =	ssyncset.done $0x0  }
0x1c: {  	[sflag:s14] =	ssyncadd.s32 $0xFFFFF400  }
0x1d: {  	v3 =	vld [tilespmem:$0x0];
	_ =	sdelay $0x4  }
0x1e: {  	v4 =	vshll.u32 v3, $0x3  }
0x1f: {  	v3 =	vand.u32 $0x7, v3;
	v4 =	vand.u32 $0xFFFFFFC0, v4  }
0x20: {  	v3 =	vor.u32 v3, v4  }
0x21: {  	v4 =	vperm.xlane v3, v0;
	_ =	sdelay $0x1  }
0x22: {  	v4 =	vadd.s32 v1, v4;
	_ =	sdelay $0x3  }
0x23: {  	s23 =	simm.s32 $0xC00  }
0x24: {  	[tilespmem:s23], [sflag:$0x1] =	stream.indirect_vreg.gather [hbm4b:s2+s3], $0x80, v4, vm0, $0xb8;
	[tilespmem:$0x18C00] =	vst v63  }
0x25: {  	s29 =	simm.s32 $0x1400;
	v3 =	vperm.xlane v3, v2  }
0x26: {  	[tilespmem:s29], [sflag:$0x1] =	stream.indirect_vreg.gather [hbm4b:s5+s3], $0x80, v4, vm0, $0xb8;
	[tilespmem:$0x18C00] =	vst v63  }
0x27: {  	s10 =	simm.s32 $0x1C00;
	v3 =	vadd.s32 v1, v3  }
0x28: {  	[tilespmem:s10], [sflag:$0x1] =	stream.indirect_vreg.gather [hbm4b:s6+s3], $0x80, v4, vm0, $0xb8;
	[tilespmem:$0x18C00] =	vst v63  }
0x29: {  	s11 =	simm.s32 $0x2400  }
0x2a: {  	[tilespmem:s11], [sflag:$0x1] =	stream.indirect_vreg.gather [hbm4b:s7+s3], $0x80, v4, vm0, $0xb8;
	[tilespmem:$0x18C00] =	vst v63  }
0x2b: {  	s14 =	simm.s32 $0x2C00  }
0x2c: {  	[tilespmem:s14], [sflag:$0x1] =	stream.indirect_vreg.gather [hbm4b:s2+s3], $0x80, v3, vm0, $0xb8;
	[tilespmem:$0x18C00] =	vst v63  }
0x2d: {  	s23 =	simm.s32 $0x3400  }
0x2e: {  	[tilespmem:s23], [sflag:$0x1] =	stream.indirect_vreg.gather [hbm4b:s5+s3], $0x80, v3, vm0, $0xb8;
	[tilespmem:$0x18C00] =	vst v63  }
0x2f: {  	s29 =	simm.s32 $0x3C00  }
0x30: {  	[tilespmem:s29], [sflag:$0x1] =	stream.indirect_vreg.gather [hbm4b:s6+s3], $0x80, v3, vm0, $0xb8;
	[tilespmem:$0x18C00] =	vst v63  }
0x31: {  	s10 =	simm.s32 $0x4400  }
0x32: {  	[tilespmem:s10], [sflag:$0x1] =	stream.indirect_vreg.gather [hbm4b:s7+s3], $0x80, v3, vm0, $0xb8;
	[tilespmem:$0x18C00] =	vst v63  }
0x33: {  	v3 =	vld.msk [tilespmem:$0x10], $0xff;
	_ =	sdelay $0x4  }
0x34: {  	v57 =	vshll.u32 v3, $0x3  }
0x35: {  	v3 =	vand.u32 $0x7, v3;
	v4 =	vand.u32 $0xFFFFFFC0, v57  }
0x36: {  	v3 =	vor.u32 v3, v4  }
0x37: {  	v3 =	vperm.xlane v3, v0;
	_ =	sdelay $0x1  }
0x38: {  	v3 =	vadd.s32 v1, v3;
	_ =	sdelay $0x3  }
0x39: {  	s11 =	simm.s32 $0x4C00  }
0x3a: {  	[tilespmem:s11], [sflag:$0x1] =	stream.indirect_vreg.gather [hbm4b:s2+s3], $0x80, v3, vm0, $0xb8;
	[tilespmem:$0x18C00] =	vst v63  }
0x3b: {  	s14 =	simm.s32 $0x5400  }
0x3c: {  	[tilespmem:s14], [sflag:$0x1] =	stream.indirect_vreg.gather [hbm4b:s5+s3], $0x80, v3, vm0, $0xb8;
	[tilespmem:$0x18C00] =	vst v63  }
0x3d: {  	s23 =	simm.s32 $0x5C00  }
0x3e: {  	[tilespmem:s23], [sflag:$0x1] =	stream.indirect_vreg.gather [hbm4b:s6+s3], $0x80, v3, vm0, $0xb8;
	[tilespmem:$0x18C00] =	vst v63  }
0x3f: {  	s29 =	simm.s32 $0x6400  }
0x40: {  	[tilespmem:s29], [sflag:$0x1] =	stream.indirect_vreg.gather [hbm4b:s7+s3], $0x80, v3, vm0, $0xb8;
	[tilespmem:$0x18C00] =	vst v63  }
0x41: {  	v3 =	vld [tilespmem:$0x18];
	_ =	sdelay $0x4  }
0x42: {  	v58 =	vshll.u32 v3, $0x3  }
0x43: {  	v3 =	vand.u32 $0x7, v3;
	v4 =	vand.u32 $0xFFFFFFC0, v58  }
0x44: {  	v3 =	vor.u32 v3, v4  }
0x45: {  	v4 =	vperm.xlane v3, v0;
	_ =	sdelay $0x1  }
0x46: {  	v4 =	vadd.s32 v1, v4;
	_ =	sdelay $0x3  }
0x47: {  	s10 =	simm.s32 $0x6C00  }
0x48: {  	[tilespmem:s10], [sflag:$0x2] =	stream.indirect_vreg.gather [hbm4b:s2+s3], $0x80, v4, vm0, $0xb8;
	[tilespmem:$0x18C00] =	vst v63  }
0x49: {  	s11 =	simm.s32 $0x7400;
	v3 =	vperm.xlane v3, v2  }
0x4a: {  	[tilespmem:s11], [sflag:$0x2] =	stream.indirect_vreg.gather [hbm4b:s5+s3], $0x80, v4, vm0, $0xb8;
	[tilespmem:$0x18C00] =	vst v63  }
0x4b: {  	s14 =	simm.s32 $0x7C00;
	v3 =	vadd.s32 v1, v3  }
0x4c: {  	[tilespmem:s14], [sflag:$0x2] =	stream.indirect_vreg.gather [hbm4b:s6+s3], $0x80, v4, vm0, $0xb8;
	[tilespmem:$0x18C00] =	vst v63  }
0x4d: {  	s23 =	simm.s32 $0x8400  }
0x4e: {  	[tilespmem:s23], [sflag:$0x2] =	stream.indirect_vreg.gather [hbm4b:s7+s3], $0x80, v4, vm0, $0xb8;
	[tilespmem:$0x18C00] =	vst v63  }
0x4f: {  	s29 =	simm.s32 $0x8C00  }
0x50: {  	[tilespmem:s29], [sflag:$0x2] =	stream.indirect_vreg.gather [hbm4b:s2+s3], $0x80, v3, vm0, $0xb8;
	[tilespmem:$0x18C00] =	vst v63  }
0x51: {  	s10 =	simm.s32 $0x9400  }
0x52: {  	[tilespmem:s10], [sflag:$0x2] =	stream.indirect_vreg.gather [hbm4b:s5+s3], $0x80, v3, vm0, $0xb8;
	[tilespmem:$0x18C00] =	vst v63  }
0x53: {  	s11 =	simm.s32 $0x9C00  }
0x54: {  	[tilespmem:s11], [sflag:$0x2] =	stream.indirect_vreg.gather [hbm4b:s6+s3], $0x80, v3, vm0, $0xb8;
	[tilespmem:$0x18C00] =	vst v63  }
0x55: {  	s14 =	simm.s32 $0xA400  }
0x56: {  	[tilespmem:s14], [sflag:$0x2] =	stream.indirect_vreg.gather [hbm4b:s7+s3], $0x80, v3, vm0, $0xb8;
	[tilespmem:$0x18C00] =	vst v63  }
0x57: {  	v3 =	vld.msk [tilespmem:$0x28], $0xff;
	_ =	sdelay $0x4  }
0x58: {  	v59 =	vshll.u32 v3, $0x3  }
0x59: {  	v3 =	vand.u32 $0x7, v3;
	v4 =	vand.u32 $0xFFFFFFC0, v59  }
0x5a: {  	v3 =	vor.u32 v3, v4  }
0x5b: {  	v3 =	vperm.xlane v3, v0;
	_ =	sdelay $0x1  }
0x5c: {  	v3 =	vadd.s32 v1, v3;
	_ =	sdelay $0x3  }
0x5d: {  	s23 =	simm.s32 $0xAC00  }
0x5e: {  	[tilespmem:s23], [sflag:$0x2] =	stream.indirect_vreg.gather [hbm4b:s2+s3], $0x80, v3, vm0, $0xb8;
	[tilespmem:$0x18C00] =	vst v63  }
0x5f: {  	s29 =	simm.s32 $0xB400  }
0x60: {  	[tilespmem:s29], [sflag:$0x2] =	stream.indirect_vreg.gather [hbm4b:s5+s3], $0x80, v3, vm0, $0xb8;
	[tilespmem:$0x18C00] =	vst v63  }
0x61: {  	s10 =	simm.s32 $0xBC00  }
0x62: {  	[tilespmem:s10], [sflag:$0x2] =	stream.indirect_vreg.gather [hbm4b:s6+s3], $0x80, v3, vm0, $0xb8;
	[tilespmem:$0x18C00] =	vst v63  }
0x63: {  	s11 =	simm.s32 $0xC400  }
0x64: {  	[tilespmem:s11], [sflag:$0x2] =	stream.indirect_vreg.gather [hbm4b:s7+s3], $0x80, v3, vm0, $0xb8;
	[tilespmem:$0x18C00] =	vst v63  }
0x65: {  	v3 =	vld [tilespmem:$0x30];
	_ =	sdelay $0x4  }
0x66: {  	v60 =	vshll.u32 v3, $0x3  }
0x67: {  	v3 =	vand.u32 $0x7, v3;
	v4 =	vand.u32 $0xFFFFFFC0, v60  }
0x68: {  	v3 =	vor.u32 v3, v4  }
0x69: {  	v4 =	vperm.xlane v3, v0;
	_ =	sdelay $0x1  }
0x6a: {  	v4 =	vadd.s32 v1, v4;
	_ =	sdelay $0x3  }
0x6b: {  	s14 =	simm.s32 $0xCC00  }
0x6c: {  	[tilespmem:s14], [sflag:$0x3] =	stream.indirect_vreg.gather [hbm4b:s2+s3], $0x80, v4, vm0, $0xb8;
	[tilespmem:$0x18C00] =	vst v63  }
0x6d: {  	s23 =	simm.s32 $0xD400;
	v3 =	vperm.xlane v3, v2  }
0x6e: {  	[tilespmem:s23], [sflag:$0x3] =	stream.indirect_vreg.gather [hbm4b:s5+s3], $0x80, v4, vm0, $0xb8;
	[tilespmem:$0x18C00] =	vst v63  }
0x6f: {  	s29 =	simm.s32 $0xDC00;
	v3 =	vadd.s32 v1, v3  }
0x70: {  	[tilespmem:s29], [sflag:$0x3] =	stream.indirect_vreg.gather [hbm4b:s6+s3], $0x80, v4, vm0, $0xb8;
	[tilespmem:$0x18C00] =	vst v63  }
0x71: {  	s10 =	simm.s32 $0xE400  }
0x72: {  	[tilespmem:s10], [sflag:$0x3] =	stream.indirect_vreg.gather [hbm4b:s7+s3], $0x80, v4, vm0, $0xb8;
	[tilespmem:$0x18C00] =	vst v63  }
0x73: {  	s11 =	simm.s32 $0xEC00  }
0x74: {  	[tilespmem:s11], [sflag:$0x3] =	stream.indirect_vreg.gather [hbm4b:s2+s3], $0x80, v3, vm0, $0xb8;
	[tilespmem:$0x18C00] =	vst v63  }
0x75: {  	s14 =	simm.s32 $0xF400  }
0x76: {  	[tilespmem:s14], [sflag:$0x3] =	stream.indirect_vreg.gather [hbm4b:s5+s3], $0x80, v3, vm0, $0xb8;
	[tilespmem:$0x18C00] =	vst v63  }
0x77: {  	s23 =	simm.s32 $0xFC00  }
0x78: {  	[tilespmem:s23], [sflag:$0x3] =	stream.indirect_vreg.gather [hbm4b:s6+s3], $0x80, v3, vm0, $0xb8;
	[tilespmem:$0x18C00] =	vst v63  }
0x79: {  	s29 =	simm.s32 $0x10400  }
0x7a: {  	[tilespmem:s29], [sflag:$0x3] =	stream.indirect_vreg.gather [hbm4b:s7+s3], $0x80, v3, vm0, $0xb8;
	[tilespmem:$0x18C00] =	vst v63  }
0x7b: {  	v3 =	vld.msk [tilespmem:$0x40], $0xff;
	_ =	sdelay $0x4  }
0x7c: {  	v61 =	vshll.u32 v3, $0x3  }
0x7d: {  	v3 =	vand.u32 $0x7, v3;
	v4 =	vand.u32 $0xFFFFFFC0, v61  }
0x7e: {  	v3 =	vor.u32 v3, v4  }
0x7f: {  	v3 =	vperm.xlane v3, v0;
	_ =	sdelay $0x1  }
0x80: {  	v3 =	vadd.s32 v1, v3;
	_ =	sdelay $0x3  }
0x81: {  	s10 =	simm.s32 $0x10C00  }
0x82: {  	[tilespmem:s10], [sflag:$0x3] =	stream.indirect_vreg.gather [hbm4b:s2+s3], $0x80, v3, vm0, $0xb8;
	[tilespmem:$0x18C00] =	vst v63  }
0x83: {  	s11 =	simm.s32 $0x11400  }
0x84: {  	[tilespmem:s11], [sflag:$0x3] =	stream.indirect_vreg.gather [hbm4b:s5+s3], $0x80, v3, vm0, $0xb8;
	[tilespmem:$0x18C00] =	vst v63  }
0x85: {  	s14 =	simm.s32 $0x11C00  }
0x86: {  	[tilespmem:s14], [sflag:$0x3] =	stream.indirect_vreg.gather [hbm4b:s6+s3], $0x80, v3, vm0, $0xb8;
	[tilespmem:$0x18C00] =	vst v63  }
0x87: {  	s23 =	simm.s32 $0x12400  }
0x88: {  	[tilespmem:s23], [sflag:$0x3] =	stream.indirect_vreg.gather [hbm4b:s7+s3], $0x80, v3, vm0, $0xb8;
	[tilespmem:$0x18C00] =	vst v63  }
0x89: {  	v3 =	vld [tilespmem:$0x48];
	_ =	sdelay $0x4  }
0x8a: {  	v62 =	vshll.u32 v3, $0x3  }
0x8b: {  	v3 =	vand.u32 $0x7, v3;
	v4 =	vand.u32 $0xFFFFFFC0, v62  }
0x8c: {  	v3 =	vor.u32 v3, v4  }
0x8d: {  	v4 =	vperm.xlane v3, v0;
	_ =	sdelay $0x1  }
0x8e: {  	v4 =	vadd.s32 v1, v4;
	_ =	sdelay $0x4  }
0x8f: {  	[tilespmem:s28], [sflag:$0x4] =	stream.indirect_vreg.gather [hbm4b:s2+s3], $0x80, v4, vm0, $0xb8;
	[tilespmem:$0x18C00] =	vst v63  }
0x90: {  	s29 =	simm.s32 $0x13400;
	v3 =	vperm.xlane v3, v2  }
0x91: {  	[tilespmem:s29], [sflag:$0x4] =	stream.indirect_vreg.gather [hbm4b:s5+s3], $0x80, v4, vm0, $0xb8;
	[tilespmem:$0x18C00] =	vst v63  }
0x92: {  	v3 =	vadd.s32 v1, v3  }
0x93: {  	[tilespmem:s30], [sflag:$0x4] =	stream.indirect_vreg.gather [hbm4b:s6+s3], $0x80, v4, vm0, $0xb8;
	[tilespmem:$0x18C00] =	vst v63  }
0x94: {  	_ = 	snop  }
0x95: {  	[tilespmem:s31], [sflag:$0x4] =	stream.indirect_vreg.gather [hbm4b:s7+s3], $0x80, v4, vm0, $0xb8;
	[tilespmem:$0x18C00] =	vst v63  }
0x96: {  	_ = 	snop  }
0x97: {  	[tilespmem:s1], [sflag:$0x4] =	stream.indirect_vreg.gather [hbm4b:s2+s3], $0x80, v3, vm0, $0xb8;
	[tilespmem:$0x18C00] =	vst v63  }
0x98: {  	_ = 	snop  }
0x99: {  	[tilespmem:s0], [sflag:$0x4] =	stream.indirect_vreg.gather [hbm4b:s5+s3], $0x80, v3, vm0, $0xb8;
	[tilespmem:$0x18C00] =	vst v63  }
0x9a: {  	_ = 	snop  }
0x9b: {  	[tilespmem:s12], [sflag:$0x4] =	stream.indirect_vreg.gather [hbm4b:s6+s3], $0x80, v3, vm0, $0xb8;
	[tilespmem:$0x18C00] =	vst v63  }
0x9c: {  	_ = 	snop  }
0x9d: {  	[tilespmem:s13], [sflag:$0x4] =	stream.indirect_vreg.gather [hbm4b:s7+s3], $0x80, v3, vm0, $0xb8;
	[tilespmem:$0x18C00] =	vst v63  }
0x9e: {  	v3 =	vld.msk [tilespmem:$0x58], $0xff;
	_ =	sdelay $0x4  }
0x9f: {  	v63 =	vshll.u32 v3, $0x3  }
0xa0: {  	v3 =	vand.u32 $0x7, v3;
	v4 =	vand.u32 $0xFFFFFFC0, v63  }
0xa1: {  	v3 =	vor.u32 v3, v4  }
0xa2: {  	v3 =	vperm.xlane v3, v0;
	_ =	sdelay $0x1  }
0xa3: {  	v3 =	vadd.s32 v1, v3;
	_ =	sdelay $0x4  }
0xa4: {  	[tilespmem:s15], [sflag:$0x4] =	stream.indirect_vreg.gather [hbm4b:s2+s3], $0x80, v3, vm0, $0xb8;
	[tilespmem:$0x18C00] =	vst v63  }
0xa5: {  	_ = 	snop  }
0xa6: {  	[tilespmem:s16], [sflag:$0x4] =	stream.indirect_vreg.gather [hbm4b:s5+s3], $0x80, v3, vm0, $0xb8;
	[tilespmem:$0x18C00] =	vst v63  }
0xa7: {  	_ = 	snop  }
0xa8: {  	[tilespmem:s17], [sflag:$0x4] =	stream.indirect_vreg.gather [hbm4b:s6+s3], $0x80, v3, vm0, $0xb8;
	[tilespmem:$0x18C00] =	vst v63  }
0xa9: {  	s8 =	simm.s32 $0x0;
	s10 =	simm.s32 $0xB8  }
0xaa: {  	[tilespmem:s18], [sflag:$0x4] =	stream.indirect_vreg.gather [hbm4b:s7+s3], $0x80, v3, vm0, $0xb8;
	[tilespmem:$0x18C00] =	vst v63  }
.LBB2_2:
0xab: {  	_ =	swait.ge [sflag:s19], $0x6000  }
0xac: {  	[sflag:s19] =	ssyncset.done $0x0  }
0xad: {  	s11 =	sadd.s32 s8, s9;
	s14 =	simm.s32 $0xC00;
	[sflag:s19] =	ssyncadd.s32 $0xFFFFA000  }
0xae: {  	[hbm4b:s11+s3] =	stream.linear.scatter [tilespmem:s14], [sflag:$0x5], $0x6000, $0x38;
	[tilespmem:$0x18C00] =	vst v63  }
0xaf: {  	_ =	swait.ge [sflag:s20], $0x6000  }
0xb0: {  	[sflag:s20] =	ssyncset.done $0x0  }
0xb1: {  	p0 =	seq.s32 s8, $0x5D000;
	[sflag:s20] =	ssyncadd.s32 $0xFFFFA000  }
0xb2: {  	v3 =	vld @!p0 [tilespmem:s10+$0xFFFFFFA8];
	_ =	sdelay $0x4  }
0xb3: {  	v4 =	vshll.u32 @!p0 v3, $0x3  }
0xb4: {  	v5 =	vlaneseq.u32 @!p0;
	v3 =	vand.u32 @!p0 $0x7, v3;
	v4 =	vand.u32 @!p0 $0xFFFFFFC0, v4  }
0xb5: {  	v6 =	vshrl.u32 @!p0 v5, $0x3;
	v3 =	vor.u32 @!p0 v3, v4;
	v4 =	vand.u32 @!p0 $0x7, v5  }
0xb6: {  	v6 =	vmul.u32 @!p0 $0x8, v6;
	v7 =	vperm.xlane @!p0 v3, v4;
	_ =	sdelay $0x1  }
0xb7: {  	v7 =	vadd.s32 @!p0 v6, v7;
	_ =	sdelay $0x3  }
0xb8: {  	vm1 =	vmmov @!p0 $0xffff;
	s23 =	simm.s32 @!p0 $0x0;
	s14 =	simm.s32 @!p0 $0xC00  }
0xb9: {  	v5 =	vor.u32 @!p0 $0x8, v5;
	[tilespmem:s14], [sflag:$0x1] =	stream.indirect_vreg.gather @!p0 [hbm4b:s2+s23], $0x80, v7, vm1, $0xb8;
	[tilespmem:$0x18C00] =	vst v63  }
0xba: {  	v3 =	vperm.xlane @!p0 v3, v5;
	s14 =	simm.s32 @!p0 $0x1400  }
0xbb: {  	[tilespmem:s14], [sflag:$0x1] =	stream.indirect_vreg.gather @!p0 [hbm4b:s5+s23], $0x80, v7, vm1, $0xb8;
	[tilespmem:$0x18C00] =	vst v63  }
0xbc: {  	v3 =	vadd.s32 @!p0 v6, v3;
	s14 =	simm.s32 @!p0 $0x1C00  }
0xbd: {  	[tilespmem:s14], [sflag:$0x1] =	stream.indirect_vreg.gather @!p0 [hbm4b:s6+s23], $0x80, v7, vm1, $0xb8;
	[tilespmem:$0x18C00] =	vst v63  }
0xbe: {  	s14 =	simm.s32 @!p0 $0x2400  }
0xbf: {  	[tilespmem:s14], [sflag:$0x1] =	stream.indirect_vreg.gather @!p0 [hbm4b:s7+s23], $0x80, v7, vm1, $0xb8;
	[tilespmem:$0x18C00] =	vst v63  }
0xc0: {  	s14 =	simm.s32 @!p0 $0x2C00  }
0xc1: {  	[tilespmem:s14], [sflag:$0x1] =	stream.indirect_vreg.gather @!p0 [hbm4b:s2+s23], $0x80, v3, vm1, $0xb8;
	[tilespmem:$0x18C00] =	vst v63  }
0xc2: {  	s14 =	simm.s32 @!p0 $0x3400  }
0xc3: {  	[tilespmem:s14], [sflag:$0x1] =	stream.indirect_vreg.gather @!p0 [hbm4b:s5+s23], $0x80, v3, vm1, $0xb8;
	[tilespmem:$0x18C00] =	vst v63  }
0xc4: {  	s14 =	simm.s32 @!p0 $0x3C00  }
0xc5: {  	[tilespmem:s14], [sflag:$0x1] =	stream.indirect_vreg.gather @!p0 [hbm4b:s6+s23], $0x80, v3, vm1, $0xb8;
	[tilespmem:$0x18C00] =	vst v63  }
0xc6: {  	s14 =	simm.s32 @!p0 $0x4400  }
0xc7: {  	[tilespmem:s14], [sflag:$0x1] =	stream.indirect_vreg.gather @!p0 [hbm4b:s7+s23], $0x80, v3, vm1, $0xb8;
	[tilespmem:$0x18C00] =	vst v63  }
0xc8: {  	v3 =	vld.msk @!p0 [tilespmem:s10+$0xFFFFFFB8], $0xff;
	_ =	sdelay $0x4  }
0xc9: {  	v7 =	vshll.u32 @!p0 v3, $0x3  }
0xca: {  	v3 =	vand.u32 @!p0 $0x7, v3;
	v7 =	vand.u32 @!p0 $0xFFFFFFC0, v7  }
0xcb: {  	v3 =	vor.u32 @!p0 v3, v7  }
0xcc: {  	v3 =	vperm.xlane @!p0 v3, v4;
	_ =	sdelay $0x1  }
0xcd: {  	v3 =	vadd.s32 @!p0 v6, v3;
	_ =	sdelay $0x3  }
0xce: {  	s14 =	simm.s32 @!p0 $0x4C00  }
0xcf: {  	[tilespmem:s14], [sflag:$0x1] =	stream.indirect_vreg.gather @!p0 [hbm4b:s2+s23], $0x80, v3, vm1, $0xb8;
	[tilespmem:$0x18C00] =	vst v63  }
0xd0: {  	s14 =	simm.s32 @!p0 $0x5400  }
0xd1: {  	[tilespmem:s14], [sflag:$0x1] =	stream.indirect_vreg.gather @!p0 [hbm4b:s5+s23], $0x80, v3, vm1, $0xb8;
	[tilespmem:$0x18C00] =	vst v63  }
0xd2: {  	s14 =	simm.s32 @!p0 $0x5C00  }
0xd3: {  	[tilespmem:s14], [sflag:$0x1] =	stream.indirect_vreg.gather @!p0 [hbm4b:s6+s23], $0x80, v3, vm1, $0xb8;
	[tilespmem:$0x18C00] =	vst v63  }
0xd4: {  	s14 =	simm.s32 @!p0 $0x6400  }
0xd5: {  	[tilespmem:s14], [sflag:$0x1] =	stream.indirect_vreg.gather @!p0 [hbm4b:s7+s23], $0x80, v3, vm1, $0xb8;
	[tilespmem:$0x18C00] =	vst v63  }
0xd6: {  	_ =	swait.ge [sflag:s21], $0x6000  }
0xd7: {  	[sflag:s21] =	ssyncset.done $0x0  }
0xd8: {  	s29 =	simm.s32 $0x6C00;
	s14 =	sadd.s32 $0xC00, s11;
	[sflag:s21] =	ssyncadd.s32 $0xFFFFA000  }
0xd9: {  	[hbm4b:s14+s3] =	stream.linear.scatter [tilespmem:s29], [sflag:$0x6], $0x6000, $0x38;
	[tilespmem:$0x18C00] =	vst v63  }
0xda: {  	_ =	swait.ge [sflag:s22], $0x6000  }
0xdb: {  	[sflag:s22] =	ssyncset.done $0x0  }
0xdc: {  	[sflag:s22] =	ssyncadd.s32 $0xFFFFA000  }
0xdd: {  	v3 =	vld @!p0 [tilespmem:s10+$0xFFFFFFC0];
	_ =	sdelay $0x4  }
0xde: {  	v7 =	vshll.u32 @!p0 v3, $0x3  }
0xdf: {  	v3 =	vand.u32 @!p0 $0x7, v3;
	v7 =	vand.u32 @!p0 $0xFFFFFFC0, v7  }
0xe0: {  	v3 =	vor.u32 @!p0 v3, v7  }
0xe1: {  	v7 =	vperm.xlane @!p0 v3, v4;
	_ =	sdelay $0x1  }
0xe2: {  	v7 =	vadd.s32 @!p0 v6, v7;
	_ =	sdelay $0x3  }
0xe3: {  	s14 =	simm.s32 @!p0 $0x6C00  }
0xe4: {  	[tilespmem:s14], [sflag:$0x2] =	stream.indirect_vreg.gather @!p0 [hbm4b:s2+s23], $0x80, v7, vm1, $0xb8;
	[tilespmem:$0x18C00] =	vst v63  }
0xe5: {  	v3 =	vperm.xlane @!p0 v3, v5;
	s14 =	simm.s32 @!p0 $0x7400  }
0xe6: {  	[tilespmem:s14], [sflag:$0x2] =	stream.indirect_vreg.gather @!p0 [hbm4b:s5+s23], $0x80, v7, vm1, $0xb8;
	[tilespmem:$0x18C00] =	vst v63  }
0xe7: {  	v3 =	vadd.s32 @!p0 v6, v3;
	s14 =	simm.s32 @!p0 $0x7C00  }
0xe8: {  	[tilespmem:s14], [sflag:$0x2] =	stream.indirect_vreg.gather @!p0 [hbm4b:s6+s23], $0x80, v7, vm1, $0xb8;
	[tilespmem:$0x18C00] =	vst v63  }
0xe9: {  	s14 =	simm.s32 @!p0 $0x8400  }
0xea: {  	[tilespmem:s14], [sflag:$0x2] =	stream.indirect_vreg.gather @!p0 [hbm4b:s7+s23], $0x80, v7, vm1, $0xb8;
	[tilespmem:$0x18C00] =	vst v63  }
0xeb: {  	s14 =	simm.s32 @!p0 $0x8C00  }
0xec: {  	[tilespmem:s14], [sflag:$0x2] =	stream.indirect_vreg.gather @!p0 [hbm4b:s2+s23], $0x80, v3, vm1, $0xb8;
	[tilespmem:$0x18C00] =	vst v63  }
0xed: {  	s14 =	simm.s32 @!p0 $0x9400  }
0xee: {  	[tilespmem:s14], [sflag:$0x2] =	stream.indirect_vreg.gather @!p0 [hbm4b:s5+s23], $0x80, v3, vm1, $0xb8;
	[tilespmem:$0x18C00] =	vst v63  }
0xef: {  	s14 =	simm.s32 @!p0 $0x9C00  }
0xf0: {  	[tilespmem:s14], [sflag:$0x2] =	stream.indirect_vreg.gather @!p0 [hbm4b:s6+s23], $0x80, v3, vm1, $0xb8;
	[tilespmem:$0x18C00] =	vst v63  }
0xf1: {  	s14 =	simm.s32 @!p0 $0xA400  }
0xf2: {  	[tilespmem:s14], [sflag:$0x2] =	stream.indirect_vreg.gather @!p0 [hbm4b:s7+s23], $0x80, v3, vm1, $0xb8;
	[tilespmem:$0x18C00] =	vst v63  }
0xf3: {  	v3 =	vld.msk @!p0 [tilespmem:s10+$0xFFFFFFD0], $0xff;
	_ =	sdelay $0x4  }
0xf4: {  	v7 =	vshll.u32 @!p0 v3, $0x3  }
0xf5: {  	v3 =	vand.u32 @!p0 $0x7, v3;
	v7 =	vand.u32 @!p0 $0xFFFFFFC0, v7  }
0xf6: {  	v3 =	vor.u32 @!p0 v3, v7  }
0xf7: {  	v3 =	vperm.xlane @!p0 v3, v4;
	_ =	sdelay $0x1  }
0xf8: {  	v3 =	vadd.s32 @!p0 v6, v3;
	_ =	sdelay $0x3  }
0xf9: {  	s14 =	simm.s32 @!p0 $0xAC00  }
0xfa: {  	[tilespmem:s14], [sflag:$0x2] =	stream.indirect_vreg.gather @!p0 [hbm4b:s2+s23], $0x80, v3, vm1, $0xb8;
	[tilespmem:$0x18C00] =	vst v63  }
0xfb: {  	s14 =	simm.s32 @!p0 $0xB400  }
0xfc: {  	[tilespmem:s14], [sflag:$0x2] =	stream.indirect_vreg.gather @!p0 [hbm4b:s5+s23], $0x80, v3, vm1, $0xb8;
	[tilespmem:$0x18C00] =	vst v63  }
0xfd: {  	s14 =	simm.s32 @!p0 $0xBC00  }
0xfe: {  	[tilespmem:s14], [sflag:$0x2] =	stream.indirect_vreg.gather @!p0 [hbm4b:s6+s23], $0x80, v3, vm1, $0xb8;
	[tilespmem:$0x18C00] =	vst v63  }
0xff: {  	s14 =	simm.s32 @!p0 $0xC400  }
0x100: {  	[tilespmem:s14], [sflag:$0x2] =	stream.indirect_vreg.gather @!p0 [hbm4b:s7+s23], $0x80, v3, vm1, $0xb8;
	[tilespmem:$0x18C00] =	vst v63  }
0x101: {  	_ =	swait.ge [sflag:s24], $0x6000  }
0x102: {  	[sflag:s24] =	ssyncset.done $0x0  }
0x103: {  	s29 =	simm.s32 $0xCC00;
	s14 =	sadd.s32 $0x1800, s11;
	[sflag:s24] =	ssyncadd.s32 $0xFFFFA000  }
0x104: {  	[hbm4b:s14+s3] =	stream.linear.scatter [tilespmem:s29], [sflag:$0x7], $0x6000, $0x38;
	[tilespmem:$0x18C00] =	vst v63  }
0x105: {  	_ =	swait.ge [sflag:s25], $0x6000  }
0x106: {  	[sflag:s25] =	ssyncset.done $0x0  }
0x107: {  	[sflag:s25] =	ssyncadd.s32 $0xFFFFA000  }
0x108: {  	v3 =	vld @!p0 [tilespmem:s10+$0xFFFFFFD8];
	_ =	sdelay $0x4  }
0x109: {  	v7 =	vshll.u32 @!p0 v3, $0x3  }
0x10a: {  	v3 =	vand.u32 @!p0 $0x7, v3;
	v7 =	vand.u32 @!p0 $0xFFFFFFC0, v7  }
0x10b: {  	v3 =	vor.u32 @!p0 v3, v7  }
0x10c: {  	v7 =	vperm.xlane @!p0 v3, v4;
	_ =	sdelay $0x1  }
0x10d: {  	v7 =	vadd.s32 @!p0 v6, v7;
	_ =	sdelay $0x3  }
0x10e: {  	s14 =	simm.s32 @!p0 $0xCC00  }
0x10f: {  	[tilespmem:s14], [sflag:$0x3] =	stream.indirect_vreg.gather @!p0 [hbm4b:s2+s23], $0x80, v7, vm1, $0xb8;
	[tilespmem:$0x18C00] =	vst v63  }
0x110: {  	v3 =	vperm.xlane @!p0 v3, v5;
	s14 =	simm.s32 @!p0 $0xD400  }
0x111: {  	[tilespmem:s14], [sflag:$0x3] =	stream.indirect_vreg.gather @!p0 [hbm4b:s5+s23], $0x80, v7, vm1, $0xb8;
	[tilespmem:$0x18C00] =	vst v63  }
0x112: {  	v3 =	vadd.s32 @!p0 v6, v3;
	s14 =	simm.s32 @!p0 $0xDC00  }
0x113: {  	[tilespmem:s14], [sflag:$0x3] =	stream.indirect_vreg.gather @!p0 [hbm4b:s6+s23], $0x80, v7, vm1, $0xb8;
	[tilespmem:$0x18C00] =	vst v63  }
0x114: {  	s14 =	simm.s32 @!p0 $0xE400  }
0x115: {  	[tilespmem:s14], [sflag:$0x3] =	stream.indirect_vreg.gather @!p0 [hbm4b:s7+s23], $0x80, v7, vm1, $0xb8;
	[tilespmem:$0x18C00] =	vst v63  }
0x116: {  	s14 =	simm.s32 @!p0 $0xEC00  }
0x117: {  	[tilespmem:s14], [sflag:$0x3] =	stream.indirect_vreg.gather @!p0 [hbm4b:s2+s23], $0x80, v3, vm1, $0xb8;
	[tilespmem:$0x18C00] =	vst v63  }
0x118: {  	s14 =	simm.s32 @!p0 $0xF400  }
0x119: {  	[tilespmem:s14], [sflag:$0x3] =	stream.indirect_vreg.gather @!p0 [hbm4b:s5+s23], $0x80, v3, vm1, $0xb8;
	[tilespmem:$0x18C00] =	vst v63  }
0x11a: {  	s14 =	simm.s32 @!p0 $0xFC00  }
0x11b: {  	[tilespmem:s14], [sflag:$0x3] =	stream.indirect_vreg.gather @!p0 [hbm4b:s6+s23], $0x80, v3, vm1, $0xb8;
	[tilespmem:$0x18C00] =	vst v63  }
0x11c: {  	s14 =	simm.s32 @!p0 $0x10400  }
0x11d: {  	[tilespmem:s14], [sflag:$0x3] =	stream.indirect_vreg.gather @!p0 [hbm4b:s7+s23], $0x80, v3, vm1, $0xb8;
	[tilespmem:$0x18C00] =	vst v63  }
0x11e: {  	v3 =	vld.msk @!p0 [tilespmem:s10+$0xFFFFFFE8], $0xff;
	_ =	sdelay $0x4  }
0x11f: {  	v5 =	vshll.u32 @!p0 v3, $0x3  }
0x120: {  	v3 =	vand.u32 @!p0 $0x7, v3;
	v5 =	vand.u32 @!p0 $0xFFFFFFC0, v5  }
0x121: {  	v3 =	vor.u32 @!p0 v3, v5  }
0x122: {  	v3 =	vperm.xlane @!p0 v3, v4;
	_ =	sdelay $0x1  }
0x123: {  	v3 =	vadd.s32 @!p0 v6, v3;
	_ =	sdelay $0x3  }
0x124: {  	s14 =	simm.s32 @!p0 $0x10C00  }
0x125: {  	[tilespmem:s14], [sflag:$0x3] =	stream.indirect_vreg.gather @!p0 [hbm4b:s2+s23], $0x80, v3, vm1, $0xb8;
	[tilespmem:$0x18C00] =	vst v63  }
0x126: {  	s14 =	simm.s32 @!p0 $0x11400  }
0x127: {  	[tilespmem:s14], [sflag:$0x3] =	stream.indirect_vreg.gather @!p0 [hbm4b:s5+s23], $0x80, v3, vm1, $0xb8;
	[tilespmem:$0x18C00] =	vst v63  }
0x128: {  	s14 =	simm.s32 @!p0 $0x11C00  }
0x129: {  	[tilespmem:s14], [sflag:$0x3] =	stream.indirect_vreg.gather @!p0 [hbm4b:s6+s23], $0x80, v3, vm1, $0xb8;
	[tilespmem:$0x18C00] =	vst v63  }
0x12a: {  	s14 =	simm.s32 @!p0 $0x12400  }
0x12b: {  	[tilespmem:s14], [sflag:$0x3] =	stream.indirect_vreg.gather @!p0 [hbm4b:s7+s23], $0x80, v3, vm1, $0xb8;
	[tilespmem:$0x18C00] =	vst v63  }
0x12c: {  	_ =	swait.ge [sflag:s26], $0x6000  }
0x12d: {  	[sflag:s26] =	ssyncset.done $0x0  }
.Ltmp2:
0x12e: {  	s11 =	sadd.s32 $0x2400, s11;
	[sflag:s26] =	ssyncadd.s32 $0xFFFFA000;
	(pc) =	sbr.rel @p0 .LBB2_4-.Ltmp2, $4  }
0x12f: {  	[hbm4b:s11+s3] =	stream.linear.scatter [tilespmem:s28], [sflag:$0x8], $0x6000, $0x38;
	[tilespmem:$0x18C00] =	vst v63  }
0x130: {  	_ =	swait.ge [sflag:s4], $0x6000  }
0x131: {  	[sflag:s4] =	ssyncset.done $0x0  }
0x132: {  	[sflag:s4] =	ssyncadd.s32 $0xFFFFA000  }
0x133: {  	v3 =	vld [tilespmem:s10+$0xFFFFFFF0];
	_ =	sdelay $0x4  }
0x134: {  	v4 =	vshll.u32 v3, $0x3  }
0x135: {  	v3 =	vand.u32 $0x7, v3;
	v4 =	vand.u32 $0xFFFFFFC0, v4  }
0x136: {  	v3 =	vor.u32 v3, v4  }
0x137: {  	v4 =	vperm.xlane v3, v0;
	_ =	sdelay $0x1  }
0x138: {  	v4 =	vadd.s32 v1, v4;
	_ =	sdelay $0x4  }
0x139: {  	[tilespmem:s28], [sflag:$0x4] =	stream.indirect_vreg.gather [hbm4b:s2+s3], $0x80, v4, vm0, $0xb8;
	[tilespmem:$0x18C00] =	vst v63  }
0x13a: {  	s11 =	simm.s32 $0x13400;
	v3 =	vperm.xlane v3, v2  }
0x13b: {  	[tilespmem:s11], [sflag:$0x4] =	stream.indirect_vreg.gather [hbm4b:s5+s3], $0x80, v4, vm0, $0xb8;
	[tilespmem:$0x18C00] =	vst v63  }
0x13c: {  	v3 =	vadd.s32 v1, v3  }
0x13d: {  	[tilespmem:s30], [sflag:$0x4] =	stream.indirect_vreg.gather [hbm4b:s6+s3], $0x80, v4, vm0, $0xb8;
	[tilespmem:$0x18C00] =	vst v63  }
0x13e: {  	_ = 	snop  }
0x13f: {  	[tilespmem:s31], [sflag:$0x4] =	stream.indirect_vreg.gather [hbm4b:s7+s3], $0x80, v4, vm0, $0xb8;
	[tilespmem:$0x18C00] =	vst v63  }
0x140: {  	_ = 	snop  }
0x141: {  	[tilespmem:s1], [sflag:$0x4] =	stream.indirect_vreg.gather [hbm4b:s2+s3], $0x80, v3, vm0, $0xb8;
	[tilespmem:$0x18C00] =	vst v63  }
0x142: {  	_ = 	snop  }
0x143: {  	[tilespmem:s0], [sflag:$0x4] =	stream.indirect_vreg.gather [hbm4b:s5+s3], $0x80, v3, vm0, $0xb8;
	[tilespmem:$0x18C00] =	vst v63  }
0x144: {  	_ = 	snop  }
0x145: {  	[tilespmem:s12], [sflag:$0x4] =	stream.indirect_vreg.gather [hbm4b:s6+s3], $0x80, v3, vm0, $0xb8;
	[tilespmem:$0x18C00] =	vst v63  }
0x146: {  	_ = 	snop  }
0x147: {  	[tilespmem:s13], [sflag:$0x4] =	stream.indirect_vreg.gather [hbm4b:s7+s3], $0x80, v3, vm0, $0xb8;
	[tilespmem:$0x18C00] =	vst v63  }
0x148: {  	v3 =	vld.msk [tilespmem:s10+$0x0], $0xff;
	_ =	sdelay $0x4  }
0x149: {  	v63 =	vshll.u32 v3, $0x3  }
0x14a: {  	v3 =	vand.u32 $0x7, v3;
	v4 =	vand.u32 $0xFFFFFFC0, v63  }
0x14b: {  	v3 =	vor.u32 v3, v4  }
0x14c: {  	v3 =	vperm.xlane v3, v0;
	_ =	sdelay $0x1  }
0x14d: {  	v3 =	vadd.s32 v1, v3;
	_ =	sdelay $0x4  }
0x14e: {  	[tilespmem:s15], [sflag:$0x4] =	stream.indirect_vreg.gather [hbm4b:s2+s3], $0x80, v3, vm0, $0xb8;
	[tilespmem:$0x18C00] =	vst v63  }
0x14f: {  	_ = 	snop  }
0x150: {  	[tilespmem:s16], [sflag:$0x4] =	stream.indirect_vreg.gather [hbm4b:s5+s3], $0x80, v3, vm0, $0xb8;
	[tilespmem:$0x18C00] =	vst v63  }
.Ltmp3:
0x151: {  	_ = 	snop;
	(pc) =	sbr.rel .LBB2_2-.Ltmp3, $4  }
0x152: {  	_ = 	snop  }
0x153: {  	[tilespmem:s17], [sflag:$0x4] =	stream.indirect_vreg.gather [hbm4b:s6+s3], $0x80, v3, vm0, $0xb8;
	[tilespmem:$0x18C00] =	vst v63  }
0x154: {  	s8 =	sadd.s32 $0x3000, s8;
	s10 =	sadd.s32 $0x60, s10  }
0x155: {  	[tilespmem:s18], [sflag:$0x4] =	stream.indirect_vreg.gather [hbm4b:s7+s3], $0x80, v3, vm0, $0xb8;
	[tilespmem:$0x18C00] =	vst v63  }
.LBB2_5:
0x156: {  	_ =	sfence.sel $0x180000  }
0x157: {  	[bflag:$0x0] =	sbarrier.arrive $0xFFFF  }
0x158: {  	_ =	strace $0x90000047  }
0x159: {  	s0 =	stileid.u32;
	[bflag:$0x2] =	sbarrier.arrive $0xFFFF  }
0x15a: {  	p0 =	sne.s32 s0, $0x0;
	s0 =	rddreg [dreg:$0x2]  }
0x15b: {  	s0 =	sadd.s32 @!p0 $0x100000, s0  }
0x15c: {  	[sflag:s0] =	ssyncadd.tile.s32 @!p0 $0x1;
	_ =	shalt  }
.Lfunc_end2:
_tile_overlayer_lowered:
.L_overlay_start_2:
0x15d: {  	(tag) =	ssettag $0x2  }
0x15e: {  	s0 =	rddreg [dreg:$0x0];
	s2 =	stileid.u32  }
0x15f: {  	s1 =	rddreg [dreg:$0x1];
	p0 =	sne.s32 s2, $0x0  }
0x160: {  	s3 =	rddreg [dreg:$0x2];
	[bflag:$0x3] =	sbarrier.arrive $0xFFFF;
	s2 =	simm.s32 @!p0 $0x1C09  }
0x161: {  	[timem:s3], [sflag:s2] =	dma.local @!p0 [hbm:s0], s1  }
0x162: {  	s0 =	simm.s32 @!p0 $0x9  }
0x163: {  	_ =	swait.ge @!p0 [sflag:s0], s1  }
0x164: {  	s1 =	ssub.s32 @!p0 $0x0, s1;
	[sflag:s0] =	ssyncset.done @!p0 $0x0  }
0x165: {  	[sflag:s0] =	ssyncadd.s32 @!p0 s1  }
0x166: {  	[bflag:$0x3] =	sbarrier.arrive $0xFFFF  }
0x167: {  	_ =	shalt  }

</sc_bundles>
